<compile_context>
chip_gen: v7x
topology: tpu7x:2x2x1
jax: 0.10.2.dev20260603
libtpu: 0.0.44.dev20260713+nightly
codegen_flags: <defaults>
</compile_context>

<pallas_src>
import functools

import jax
from jax import lax
import jax.numpy as jnp
from jax.experimental import pallas as pl
from jax.experimental.pallas import tpu as pltpu
from jax.experimental.pallas import tpu_sc as plsc

_TAU = 0.6
_EPS = 1e-06

_NC = 2
_NS = 16
_NW = _NC * _NS
_L = 16


def _phase1_kernel(x_ref, conf_ref, idxp_ref, hist_ref, tc_ref):
    b = pl.program_id(0)
    h = pl.program_id(1)

    @pl.when(jnp.logical_and(b == 0, h == 0))
    def _init():
        hist_ref[...] = jnp.zeros_like(hist_ref)

    x = x_ref[0]
    C = x.shape[0]
    m = x[0]
    idx = jnp.zeros(m.shape, jnp.int32)
    for c in range(1, C):
        xc = x[c]
        gt = xc > m
        m = jnp.where(gt, xc, m)
        idx = jnp.where(gt, c, idx)
    s = jnp.exp(x[0] - m)
    for c in range(1, C):
        s = s + jnp.exp(x[c] - m)
    conf = 1.0 / s
    conf_ref[...] = conf

    idxp_ref[...] = (idx[:, 0:128]
                     | (idx[:, 128:256] << 8)
                     | (idx[:, 256:384] << 16)
                     | (idx[:, 384:512] << 24))

    high = (conf > _TAU).astype(jnp.float32)
    cls = jax.lax.broadcasted_iota(jnp.int32, (C,) + idx.shape, 0)
    onehot = jnp.where(idx[None] == cls, high[None], 0.0)
    hist_ref[...] += jnp.sum(onehot, axis=(1, 2)).reshape(1, C)

    nb = pl.num_programs(0)
    nh = pl.num_programs(1)

    @pl.when(jnp.logical_and(b == nb - 1, h == nh - 1))
    def _finalize():
        sigma = hist_ref[...]
        sigma_hat = sigma / jnp.maximum(jnp.max(sigma), _EPS)
        t_c = sigma_hat / (2.0 - jnp.minimum(sigma_hat, 1.0)) * _TAU
        pad = tc_ref.shape[1] - C
        tc_ref[...] = jnp.pad(t_c, ((0, 0), (0, pad)))


def _make_phase2_sc(n_rows, n_cols):
    rows_w = n_rows // _NW
    CR = 32
    n_chunks = rows_w // CR
    n_words = n_cols // 4
    n_q = n_words // _L
    mesh = plsc.VectorSubcoreMesh(
        core_axis_name="c", subcore_axis_name="s",
        num_cores=_NC, num_subcores=_NS,
    )

    @functools.partial(
        pl.kernel,
        out_type=jax.ShapeDtypeStruct((n_rows, n_words), jnp.int32),
        mesh=mesh,
        compiler_params=pltpu.CompilerParams(needs_layout_passes=False),
        scratch_types=[
            pltpu.VMEM((32,), jnp.float32),
            pltpu.VMEM((CR, n_cols), jnp.float32),
            pltpu.VMEM((CR, n_words), jnp.int32),
            pltpu.VMEM((CR, n_words), jnp.int32),
        ],
    )
    def phase2(tc_hbm, conf_hbm, idxp_hbm, delta_hbm,
               tc_v, conf_v, idxp_v, out_v):
        wid = lax.axis_index("s") * _NC + lax.axis_index("c")
        pltpu.sync_copy(tc_hbm, tc_v)

        base = wid * rows_w
        for k in range(n_chunks):
            row0 = base + k * CR
            pltpu.sync_copy(conf_hbm.at[pl.ds(row0, CR)], conf_v)
            pltpu.sync_copy(idxp_hbm.at[pl.ds(row0, CR)], idxp_v)

            def body(i, carry):
                r = i // n_q
                q = (i % n_q) * _L
                pv = idxp_v[r, pl.ds(q, _L)]
                out = jnp.zeros((_L,), jnp.int32)
                for o in range(4):
                    iv = (pv >> (8 * o)) & 0xFF
                    cv = conf_v[r, pl.ds(o * 128 + q, _L)]
                    t = plsc.load_gather(tc_v, [iv])
                    out = out | jnp.where(cv > t, 1 << (8 * o), 0)
                out_v[r, pl.ds(q, _L)] = out
                return carry

            lax.fori_loop(0, CR * n_q, body, 0)
            pltpu.sync_copy(out_v, delta_hbm.at[pl.ds(row0, CR)])

    return phase2


@jax.jit
def kernel(logits):
    B, C, H, W = logits.shape
    BH = 64
    R = B * H
    nh = H // BH

    conf, idxp, _sigma, tc32 = pl.pallas_call(
        _phase1_kernel,
        grid=(B, H // BH),
        in_specs=[
            pl.BlockSpec((1, C, BH, W), lambda b, h: (b, 0, h, 0)),
        ],
        out_specs=[
            pl.BlockSpec((BH, W), lambda b, h: (b * nh + h, 0)),
            pl.BlockSpec((BH, W // 4), lambda b, h: (b * nh + h, 0)),
            pl.BlockSpec((1, C), lambda b, h: (0, 0)),
            pl.BlockSpec((1, 32), lambda b, h: (0, 0)),
        ],
        out_shape=[
            jax.ShapeDtypeStruct((R, W), jnp.float32),
            jax.ShapeDtypeStruct((R, W // 4), jnp.int32),
            jax.ShapeDtypeStruct((1, C), jnp.float32),
            jax.ShapeDtypeStruct((1, 32), jnp.float32),
        ],
    )(logits)

    deltap = _make_phase2_sc(R, W)(tc32.reshape(32), conf, idxp)

    shifts = (8 * jnp.arange(4, dtype=jnp.int32)).reshape(1, 4, 1)
    delta = ((deltap[:, None, :] >> shifts) & 1) != 0
    return delta.reshape(B, H, W), tc32.reshape(32)[:C]

# --- scband reference (transcript-rebuilt; emitter-appended) ---
"""Pipeline reference for scband-curriculum-dynamic-thresholding-88141318848703 (READ-ONLY COPY).

The authoritative reference and input builder live on the scoring server;
editing this copy changes nothing except your own understanding.
"""

import jax, jax.numpy as jnp
import numpy as np

TAU = 0.6
EPS = 1e-06

def setup_inputs(seed: int = 0) -> dict:
    key = jax.random.key(seed)
    logits = jax.random.normal(key, (8, 21, 512, 512), dtype=jnp.float32)
    return {"logits": logits}

def reference(logits):
    C = logits.shape[1]
    probs = jax.nn.softmax(logits, axis=1)
    conf = jnp.max(probs, axis=1)
    y_hat = jnp.argmax(probs, axis=1)
    high = conf > TAU
    # masked histogram of predicted classes among high-confidence pixels
    sigma = jnp.bincount(y_hat.reshape(-1), weights=high.reshape(-1).astype(jnp.float32), length=C)
    sigma_hat = sigma / jnp.maximum(jnp.max(sigma), EPS)
    T_c = sigma_hat / (2.0 - jnp.minimum(sigma_hat, 1.0)) * TAU
    T_map = T_c[y_hat]
    delta = conf > T_map
    return (delta, T_c)

if __name__ == "__main__":
    import jax
    _d = setup_inputs()
    print(jax.jit(kernel)(*tuple(_d.values())))

</pallas_src>

<mosaic_0001>
#map = affine_map<(d0, d1) -> (0)>
#map1 = affine_map<(d0, d1) -> (0, 0)>
module attributes {stable_mosaic.version = 14 : i64} {
  func.func @phase2(%arg0: i32, %arg1: i32, %arg2: memref<32xf32, #tpu.memory_space<hbm>>, %arg3: memref<4096x512xf32, #tpu.memory_space<hbm>>, %arg4: memref<4096x128xi32, #tpu.memory_space<hbm>>, %arg5: memref<4096x128xi32, #tpu.memory_space<hbm>>, %arg6: memref<32xf32, #tpu.memory_space<vmem>>, %arg7: memref<32x512xf32, #tpu.memory_space<vmem>>, %arg8: memref<32x128xi32, #tpu.memory_space<vmem>>, %arg9: memref<32x128xi32, #tpu.memory_space<vmem>>) attributes {dimension_semantics = [#tpu.dimension_semantics<core_parallel>, #tpu.dimension_semantics<subcore_parallel>], iteration_bounds = array<i64: 2, 16>, scalar_prefetch = 0 : i64, scratch_operands = 4 : i64, tpu.core_type = #tpu.core_type<sc_vector_subcore>, window_params = [{transform_indices = #map}, {transform_indices = #map1}, {transform_indices = #map1}, {transform_indices = #map1}]} {
    %mul3A = arith.constant 2 : i32
    %mul3A_0 = arith.muli %arg1, %mul3A : i32
    %add3A = arith.addi %mul3A_0, %arg0 : i32
    "tpu.region"() ({
      %run_scoped3A = tpu.sem_alloc : memref<!tpu.dma_semaphore, #tpu.memory_space<semaphore_mem>>
      tpu.enqueue_dma source(%arg2 : memref<32xf32, #tpu.memory_space<hbm>>) target(%arg6 : memref<32xf32, #tpu.memory_space<vmem>>) target_semaphore(%run_scoped3A : memref<!tpu.dma_semaphore, #tpu.memory_space<semaphore_mem>>)
      tpu.wait_dma2 semaphore(%run_scoped3A : memref<!tpu.dma_semaphore, #tpu.memory_space<semaphore_mem>>) src(%arg2 : memref<32xf32, #tpu.memory_space<hbm>>) dst(%arg6 : memref<32xf32, #tpu.memory_space<vmem>>)
      tpu.yield
    }) : () -> ()
    %mul3A_1 = arith.constant 128 : i32
    %mul3A_2 = arith.muli %add3A, %mul3A_1 : i32
    %add3A_3 = arith.constant 0 : i32
    %add3A_4 = arith.addi %mul3A_2, %add3A_3 : i32
    "tpu.region"() ({
      %run_scoped3A = tpu.sem_alloc : memref<!tpu.dma_semaphore, #tpu.memory_space<semaphore_mem>>
      %dma_start3A = arith.constant 0 : i32
      %dma_start3A_34 = tpu.memref_slice %arg3[%add3A_4, %dma_start3A] : memref<4096x512xf32, #tpu.memory_space<hbm>> -> memref<32x512xf32, #tpu.memory_space<hbm>>
      %dma_start3A_35 = arith.constant 0 : i32
      %dma_start3A_36 = tpu.memref_slice %arg3[%add3A_4, %dma_start3A_35] : memref<4096x512xf32, #tpu.memory_space<hbm>> -> memref<32x512xf32, #tpu.memory_space<hbm>>
      tpu.enqueue_dma source(%dma_start3A_36 : memref<32x512xf32, #tpu.memory_space<hbm>>) target(%arg7 : memref<32x512xf32, #tpu.memory_space<vmem>>) target_semaphore(%run_scoped3A : memref<!tpu.dma_semaphore, #tpu.memory_space<semaphore_mem>>)
      %dma_wait3A = arith.constant 0 : i32
      %dma_wait3A_37 = tpu.memref_slice %arg3[%add3A_4, %dma_wait3A] : memref<4096x512xf32, #tpu.memory_space<hbm>> -> memref<32x512xf32, #tpu.memory_space<hbm>>
      %dma_wait3A_38 = arith.constant 0 : i32
      %dma_wait3A_39 = tpu.memref_slice %arg3[%add3A_4, %dma_wait3A_38] : memref<4096x512xf32, #tpu.memory_space<hbm>> -> memref<32x512xf32, #tpu.memory_space<hbm>>
      tpu.wait_dma2 semaphore(%run_scoped3A : memref<!tpu.dma_semaphore, #tpu.memory_space<semaphore_mem>>) src(%dma_wait3A_39 : memref<32x512xf32, #tpu.memory_space<hbm>>) dst(%arg7 : memref<32x512xf32, #tpu.memory_space<vmem>>)
      tpu.yield
    }) : () -> ()
    "tpu.region"() ({
      %run_scoped3A = tpu.sem_alloc : memref<!tpu.dma_semaphore, #tpu.memory_space<semaphore_mem>>
      %dma_start3A = arith.constant 0 : i32
      %dma_start3A_34 = tpu.memref_slice %arg4[%add3A_4, %dma_start3A] : memref<4096x128xi32, #tpu.memory_space<hbm>> -> memref<32x128xi32, #tpu.memory_space<hbm>>
      %dma_start3A_35 = arith.constant 0 : i32
      %dma_start3A_36 = tpu.memref_slice %arg4[%add3A_4, %dma_start3A_35] : memref<4096x128xi32, #tpu.memory_space<hbm>> -> memref<32x128xi32, #tpu.memory_space<hbm>>
      tpu.enqueue_dma source(%dma_start3A_36 : memref<32x128xi32, #tpu.memory_space<hbm>>) target(%arg8 : memref<32x128xi32, #tpu.memory_space<vmem>>) target_semaphore(%run_scoped3A : memref<!tpu.dma_semaphore, #tpu.memory_space<semaphore_mem>>)
      %dma_wait3A = arith.constant 0 : i32
      %dma_wait3A_37 = tpu.memref_slice %arg4[%add3A_4, %dma_wait3A] : memref<4096x128xi32, #tpu.memory_space<hbm>> -> memref<32x128xi32, #tpu.memory_space<hbm>>
      %dma_wait3A_38 = arith.constant 0 : i32
      %dma_wait3A_39 = tpu.memref_slice %arg4[%add3A_4, %dma_wait3A_38] : memref<4096x128xi32, #tpu.memory_space<hbm>> -> memref<32x128xi32, #tpu.memory_space<hbm>>
      tpu.wait_dma2 semaphore(%run_scoped3A : memref<!tpu.dma_semaphore, #tpu.memory_space<semaphore_mem>>) src(%dma_wait3A_39 : memref<32x128xi32, #tpu.memory_space<hbm>>) dst(%arg8 : memref<32x128xi32, #tpu.memory_space<vmem>>)
      tpu.yield
    }) : () -> ()
    %scan3A = arith.constant 0 : i32
    %scan3A_5 = arith.constant 0 : i32
    %scan3A_6 = arith.constant 256 : i32
    %scan3A_7 = arith.addi %scan3A_5, %scan3A_6 : i32
    %scan3A_8 = arith.constant 1 : i32
    scf.for %scan3A_34 = %scan3A_5 to %scan3A_7 step %scan3A_8  : i32 {
      %jit3A = arith.constant 8 : i32
      %div3A = arith.divsi %scan3A_34, %jit3A : i32
      %sign3A = arith.constant 0 : i32
      %sign3A_35 = arith.cmpi sgt, %scan3A_34, %sign3A : i32
      %sign3A_36 = arith.extui %sign3A_35 : i1 to i32
      %sign3A_37 = arith.constant 0 : i32
      %sign3A_38 = arith.cmpi slt, %scan3A_34, %sign3A_37 : i32
      %sign3A_39 = arith.extui %sign3A_38 : i1 to i32
      %sign3A_40 = arith.subi %sign3A_36, %sign3A_39 : i32
      %sign3A_41 = arith.constant 0 : i32
      %sign3A_42 = arith.cmpi sgt, %jit3A, %sign3A_41 : i32
      %sign3A_43 = arith.extui %sign3A_42 : i1 to i32
      %sign3A_44 = arith.constant 0 : i32
      %sign3A_45 = arith.cmpi slt, %jit3A, %sign3A_44 : i32
      %sign3A_46 = arith.extui %sign3A_45 : i1 to i32
      %sign3A_47 = arith.subi %sign3A_43, %sign3A_46 : i32
      %ne3A = arith.cmpi ne, %sign3A_40, %sign3A_47 : i32
      %rem3A = arith.remsi %scan3A_34, %jit3A : i32
      %ne3A_48 = arith.constant 0 : i32
      %ne3A_49 = arith.cmpi ne, %rem3A, %ne3A_48 : i32
      %and3A = arith.andi %ne3A, %ne3A_49 : i1
      %sub3A = arith.constant 1 : i32
      %sub3A_50 = arith.subi %div3A, %sub3A : i32
      %select_n3A = arith.select %and3A, %sub3A_50, %div3A : i32
      %jit3A_51 = arith.constant 8 : i32
      %eq3A = arith.constant 0 : i32
      %eq3A_52 = arith.cmpi eq, %jit3A_51, %eq3A : i32
      %jit3A_53 = arith.constant 1 : i32
      %select_n3A_54 = arith.select %eq3A_52, %jit3A_53, %jit3A_51 : i32
      %rem3A_55 = arith.remsi %scan3A_34, %select_n3A_54 : i32
      %ne3A_56 = arith.constant 0 : i32
      %ne3A_57 = arith.cmpi ne, %rem3A_55, %ne3A_56 : i32
      %lt3A = arith.constant 0 : i32
      %lt3A_58 = arith.cmpi slt, %rem3A_55, %lt3A : i32
      %lt3A_59 = arith.constant 0 : i32
      %lt3A_60 = arith.cmpi slt, %select_n3A_54, %lt3A_59 : i32
      %ne3A_61 = arith.xori %lt3A_58, %lt3A_60 : i1
      %and3A_62 = arith.andi %ne3A_61, %ne3A_57 : i1
      %add3A_63 = arith.addi %rem3A_55, %select_n3A_54 : i32
      %select_n3A_64 = arith.select %and3A_62, %add3A_63, %rem3A_55 : i32
      %mul3A_65 = arith.constant 16 : i32
      %mul3A_66 = arith.muli %select_n3A_64, %mul3A_65 : i32
      %get3A = arith.index_cast %select_n3A : i32 to index
      %get3A_67 = arith.index_cast %mul3A_66 : i32 to index
      %get3A_68 = tpu.vector_load %arg8[%get3A, %get3A_67] {strides = array<i32>} : memref<32x128xi32, #tpu.memory_space<vmem>>, vector<16xi32>,
      %broadcast_in_dim3A = arith.constant 0 : i32
      %broadcast_in_dim3A_69 = vector.broadcast %broadcast_in_dim3A : i32 to vector<16xi32>
      %shift_right_arithmetic3A = arith.constant 0 : i32
      %shift_right_arithmetic3A_70 = vector.broadcast %shift_right_arithmetic3A : i32 to vector<16xi32>
      %shift_right_arithmetic3A_71 = arith.shrsi %get3A_68, %shift_right_arithmetic3A_70 : vector<16xi32>
      %and3A_72 = arith.constant 255 : i32
      %and3A_73 = vector.broadcast %and3A_72 : i32 to vector<16xi32>
      %and3A_74 = arith.andi %shift_right_arithmetic3A_71, %and3A_73 : vector<16xi32>
      %add3A_75 = arith.constant 0 : i32
      %add3A_76 = arith.addi %add3A_75, %mul3A_66 : i32
      %get3A_77 = arith.index_cast %select_n3A : i32 to index
      %get3A_78 = arith.index_cast %add3A_76 : i32 to index
      %get3A_79 = tpu.vector_load %arg7[%get3A_77, %get3A_78] {strides = array<i32>} : memref<32x512xf32, #tpu.memory_space<vmem>>, vector<16xf32>,
      %gather3A = tpu.vector_load_idx %arg6[%and3A_74] : memref<32xf32, #tpu.memory_space<vmem>>[vector<16xi32>], vector<16xf32>,
      %gt3A = arith.cmpf ogt, %get3A_79, %gather3A : vector<16xf32>
      %jit3A_80 = arith.constant 1 : i32
      %jit3A_81 = arith.constant 0 : i32
      %broadcast_in_dim3A_82 = vector.broadcast %jit3A_80 : i32 to vector<16xi32>
      %broadcast_in_dim3A_83 = vector.broadcast %jit3A_81 : i32 to vector<16xi32>
      %select_n3A_84 = arith.select %gt3A, %broadcast_in_dim3A_82, %broadcast_in_dim3A_83 : vector<16xi1>, vector<16xi32>
      %or3A = arith.ori %broadcast_in_dim3A_69, %select_n3A_84 : vector<16xi32>
      %shift_right_arithmetic3A_85 = arith.constant 8 : i32
      %shift_right_arithmetic3A_86 = vector.broadcast %shift_right_arithmetic3A_85 : i32 to vector<16xi32>
      %shift_right_arithmetic3A_87 = arith.shrsi %get3A_68, %shift_right_arithmetic3A_86 : vector<16xi32>
      %and3A_88 = arith.constant 255 : i32
      %and3A_89 = vector.broadcast %and3A_88 : i32 to vector<16xi32>
      %and3A_90 = arith.andi %shift_right_arithmetic3A_87, %and3A_89 : vector<16xi32>
      %add3A_91 = arith.constant 128 : i32
      %add3A_92 = arith.addi %add3A_91, %mul3A_66 : i32
      %get3A_93 = arith.index_cast %select_n3A : i32 to index
      %get3A_94 = arith.index_cast %add3A_92 : i32 to index
      %get3A_95 = tpu.vector_load %arg7[%get3A_93, %get3A_94] {strides = array<i32>} : memref<32x512xf32, #tpu.memory_space<vmem>>, vector<16xf32>,
      %gather3A_96 = tpu.vector_load_idx %arg6[%and3A_90] : memref<32xf32, #tpu.memory_space<vmem>>[vector<16xi32>], vector<16xf32>,
      %gt3A_97 = arith.cmpf ogt, %get3A_95, %gather3A_96 : vector<16xf32>
      %jit3A_98 = arith.constant 256 : i32
      %jit3A_99 = arith.constant 0 : i32
      %broadcast_in_dim3A_100 = vector.broadcast %jit3A_98 : i32 to vector<16xi32>
      %broadcast_in_dim3A_101 = vector.broadcast %jit3A_99 : i32 to vector<16xi32>
      %select_n3A_102 = arith.select %gt3A_97, %broadcast_in_dim3A_100, %broadcast_in_dim3A_101 : vector<16xi1>, vector<16xi32>
      %or3A_103 = arith.ori %or3A, %select_n3A_102 : vector<16xi32>
      %shift_right_arithmetic3A_104 = arith.constant 16 : i32
      %shift_right_arithmetic3A_105 = vector.broadcast %shift_right_arithmetic3A_104 : i32 to vector<16xi32>
      %shift_right_arithmetic3A_106 = arith.shrsi %get3A_68, %shift_right_arithmetic3A_105 : vector<16xi32>
      %and3A_107 = arith.constant 255 : i32
      %and3A_108 = vector.broadcast %and3A_107 : i32 to vector<16xi32>
      %and3A_109 = arith.andi %shift_right_arithmetic3A_106, %and3A_108 : vector<16xi32>
      %add3A_110 = arith.constant 256 : i32
      %add3A_111 = arith.addi %add3A_110, %mul3A_66 : i32
      %get3A_112 = arith.index_cast %select_n3A : i32 to index
      %get3A_113 = arith.index_cast %add3A_111 : i32 to index
      %get3A_114 = tpu.vector_load %arg7[%get3A_112, %get3A_113] {strides = array<i32>} : memref<32x512xf32, #tpu.memory_space<vmem>>, vector<16xf32>,
      %gather3A_115 = tpu.vector_load_idx %arg6[%and3A_109] : memref<32xf32, #tpu.memory_space<vmem>>[vector<16xi32>], vector<16xf32>,
      %gt3A_116 = arith.cmpf ogt, %get3A_114, %gather3A_115 : vector<16xf32>
      %jit3A_117 = arith.constant 65536 : i32
      %jit3A_118 = arith.constant 0 : i32
      %broadcast_in_dim3A_119 = vector.broadcast %jit3A_117 : i32 to vector<16xi32>
      %broadcast_in_dim3A_120 = vector.broadcast %jit3A_118 : i32 to vector<16xi32>
      %select_n3A_121 = arith.select %gt3A_116, %broadcast_in_dim3A_119, %broadcast_in_dim3A_120 : vector<16xi1>, vector<16xi32>
      %or3A_122 = arith.ori %or3A_103, %select_n3A_121 : vector<16xi32>
      %shift_right_arithmetic3A_123 = arith.constant 24 : i32
      %shift_right_arithmetic3A_124 = vector.broadcast %shift_right_arithmetic3A_123 : i32 to vector<16xi32>
      %shift_right_arithmetic3A_125 = arith.shrsi %get3A_68, %shift_right_arithmetic3A_124 : vector<16xi32>
      %and3A_126 = arith.constant 255 : i32
      %and3A_127 = vector.broadcast %and3A_126 : i32 to vector<16xi32>
      %and3A_128 = arith.andi %shift_right_arithmetic3A_125, %and3A_127 : vector<16xi32>
      %add3A_129 = arith.constant 384 : i32
      %add3A_130 = arith.addi %add3A_129, %mul3A_66 : i32
      %get3A_131 = arith.index_cast %select_n3A : i32 to index
      %get3A_132 = arith.index_cast %add3A_130 : i32 to index
      %get3A_133 = tpu.vector_load %arg7[%get3A_131, %get3A_132] {strides = array<i32>} : memref<32x512xf32, #tpu.memory_space<vmem>>, vector<16xf32>,
      %gather3A_134 = tpu.vector_load_idx %arg6[%and3A_128] : memref<32xf32, #tpu.memory_space<vmem>>[vector<16xi32>], vector<16xf32>,
      %gt3A_135 = arith.cmpf ogt, %get3A_133, %gather3A_134 : vector<16xf32>
      %jit3A_136 = arith.constant 16777216 : i32
      %jit3A_137 = arith.constant 0 : i32
      %broadcast_in_dim3A_138 = vector.broadcast %jit3A_136 : i32 to vector<16xi32>
      %broadcast_in_dim3A_139 = vector.broadcast %jit3A_137 : i32 to vector<16xi32>
      %select_n3A_140 = arith.select %gt3A_135, %broadcast_in_dim3A_138, %broadcast_in_dim3A_139 : vector<16xi1>, vector<16xi32>
      %or3A_141 = arith.ori %or3A_122, %select_n3A_140 : vector<16xi32>
      %swap3A = arith.index_cast %select_n3A : i32 to index
      %swap3A_142 = arith.index_cast %mul3A_66 : i32 to index
      %swap3A_143 = tpu.vector_load %arg9[%swap3A, %swap3A_142] {strides = array<i32>} : memref<32x128xi32, #tpu.memory_space<vmem>>, vector<16xi32>,
      tpu.vector_store %arg9[%swap3A, %swap3A_142], %or3A_141 {strides = array<i32>} : memref<32x128xi32, #tpu.memory_space<vmem>>, vector<16xi32>,
    }
    %scan3A_9 = arith.constant 256 : i32
    "tpu.region"() ({
      %run_scoped3A = tpu.sem_alloc : memref<!tpu.dma_semaphore, #tpu.memory_space<semaphore_mem>>
      %dma_start3A = arith.constant 0 : i32
      %dma_start3A_34 = tpu.memref_slice %arg5[%add3A_4, %dma_start3A] : memref<4096x128xi32, #tpu.memory_space<hbm>> -> memref<32x128xi32, #tpu.memory_space<hbm>>
      %dma_start3A_35 = arith.constant 0 : i32
      %dma_start3A_36 = tpu.memref_slice %arg5[%add3A_4, %dma_start3A_35] : memref<4096x128xi32, #tpu.memory_space<hbm>> -> memref<32x128xi32, #tpu.memory_space<hbm>>
      tpu.enqueue_dma source(%arg9 : memref<32x128xi32, #tpu.memory_space<vmem>>) target(%dma_start3A_36 : memref<32x128xi32, #tpu.memory_space<hbm>>) target_semaphore(%run_scoped3A : memref<!tpu.dma_semaphore, #tpu.memory_space<semaphore_mem>>)
      %dma_wait3A = arith.constant 0 : i32
      %dma_wait3A_37 = tpu.memref_slice %arg5[%add3A_4, %dma_wait3A] : memref<4096x128xi32, #tpu.memory_space<hbm>> -> memref<32x128xi32, #tpu.memory_space<hbm>>
      %dma_wait3A_38 = arith.constant 0 : i32
      %dma_wait3A_39 = tpu.memref_slice %arg5[%add3A_4, %dma_wait3A_38] : memref<4096x128xi32, #tpu.memory_space<hbm>> -> memref<32x128xi32, #tpu.memory_space<hbm>>
      tpu.wait_dma2 semaphore(%run_scoped3A : memref<!tpu.dma_semaphore, #tpu.memory_space<semaphore_mem>>) src(%arg9 : memref<32x128xi32, #tpu.memory_space<vmem>>) dst(%dma_wait3A_39 : memref<32x128xi32, #tpu.memory_space<hbm>>)
      tpu.yield
    }) : () -> ()
    %add3A_10 = arith.constant 32 : i32
    %add3A_11 = arith.addi %mul3A_2, %add3A_10 : i32
    "tpu.region"() ({
      %run_scoped3A = tpu.sem_alloc : memref<!tpu.dma_semaphore, #tpu.memory_space<semaphore_mem>>
      %dma_start3A = arith.constant 0 : i32
      %dma_start3A_34 = tpu.memref_slice %arg3[%add3A_11, %dma_start3A] : memref<4096x512xf32, #tpu.memory_space<hbm>> -> memref<32x512xf32, #tpu.memory_space<hbm>>
      %dma_start3A_35 = arith.constant 0 : i32
      %dma_start3A_36 = tpu.memref_slice %arg3[%add3A_11, %dma_start3A_35] : memref<4096x512xf32, #tpu.memory_space<hbm>> -> memref<32x512xf32, #tpu.memory_space<hbm>>
      tpu.enqueue_dma source(%dma_start3A_36 : memref<32x512xf32, #tpu.memory_space<hbm>>) target(%arg7 : memref<32x512xf32, #tpu.memory_space<vmem>>) target_semaphore(%run_scoped3A : memref<!tpu.dma_semaphore, #tpu.memory_space<semaphore_mem>>)
      %dma_wait3A = arith.constant 0 : i32
      %dma_wait3A_37 = tpu.memref_slice %arg3[%add3A_11, %dma_wait3A] : memref<4096x512xf32, #tpu.memory_space<hbm>> -> memref<32x512xf32, #tpu.memory_space<hbm>>
      %dma_wait3A_38 = arith.constant 0 : i32
      %dma_wait3A_39 = tpu.memref_slice %arg3[%add3A_11, %dma_wait3A_38] : memref<4096x512xf32, #tpu.memory_space<hbm>> -> memref<32x512xf32, #tpu.memory_space<hbm>>
      tpu.wait_dma2 semaphore(%run_scoped3A : memref<!tpu.dma_semaphore, #tpu.memory_space<semaphore_mem>>) src(%dma_wait3A_39 : memref<32x512xf32, #tpu.memory_space<hbm>>) dst(%arg7 : memref<32x512xf32, #tpu.memory_space<vmem>>)
      tpu.yield
    }) : () -> ()
    "tpu.region"() ({
      %run_scoped3A = tpu.sem_alloc : memref<!tpu.dma_semaphore, #tpu.memory_space<semaphore_mem>>
      %dma_start3A = arith.constant 0 : i32
      %dma_start3A_34 = tpu.memref_slice %arg4[%add3A_11, %dma_start3A] : memref<4096x128xi32, #tpu.memory_space<hbm>> -> memref<32x128xi32, #tpu.memory_space<hbm>>
      %dma_start3A_35 = arith.constant 0 : i32
      %dma_start3A_36 = tpu.memref_slice %arg4[%add3A_11, %dma_start3A_35] : memref<4096x128xi32, #tpu.memory_space<hbm>> -> memref<32x128xi32, #tpu.memory_space<hbm>>
      tpu.enqueue_dma source(%dma_start3A_36 : memref<32x128xi32, #tpu.memory_space<hbm>>) target(%arg8 : memref<32x128xi32, #tpu.memory_space<vmem>>) target_semaphore(%run_scoped3A : memref<!tpu.dma_semaphore, #tpu.memory_space<semaphore_mem>>)
      %dma_wait3A = arith.constant 0 : i32
      %dma_wait3A_37 = tpu.memref_slice %arg4[%add3A_11, %dma_wait3A] : memref<4096x128xi32, #tpu.memory_space<hbm>> -> memref<32x128xi32, #tpu.memory_space<hbm>>
      %dma_wait3A_38 = arith.constant 0 : i32
      %dma_wait3A_39 = tpu.memref_slice %arg4[%add3A_11, %dma_wait3A_38] : memref<4096x128xi32, #tpu.memory_space<hbm>> -> memref<32x128xi32, #tpu.memory_space<hbm>>
      tpu.wait_dma2 semaphore(%run_scoped3A : memref<!tpu.dma_semaphore, #tpu.memory_space<semaphore_mem>>) src(%dma_wait3A_39 : memref<32x128xi32, #tpu.memory_space<hbm>>) dst(%arg8 : memref<32x128xi32, #tpu.memory_space<vmem>>)
      tpu.yield
    }) : () -> ()
    %scan3A_12 = arith.constant 0 : i32
    %scan3A_13 = arith.constant 0 : i32
    %scan3A_14 = arith.constant 256 : i32
    %scan3A_15 = arith.addi %scan3A_13, %scan3A_14 : i32
    %scan3A_16 = arith.constant 1 : i32
    scf.for %scan3A_34 = %scan3A_13 to %scan3A_15 step %scan3A_16  : i32 {
      %jit3A = arith.constant 8 : i32
      %div3A = arith.divsi %scan3A_34, %jit3A : i32
      %sign3A = arith.constant 0 : i32
      %sign3A_35 = arith.cmpi sgt, %scan3A_34, %sign3A : i32
      %sign3A_36 = arith.extui %sign3A_35 : i1 to i32
      %sign3A_37 = arith.constant 0 : i32
      %sign3A_38 = arith.cmpi slt, %scan3A_34, %sign3A_37 : i32
      %sign3A_39 = arith.extui %sign3A_38 : i1 to i32
      %sign3A_40 = arith.subi %sign3A_36, %sign3A_39 : i32
      %sign3A_41 = arith.constant 0 : i32
      %sign3A_42 = arith.cmpi sgt, %jit3A, %sign3A_41 : i32
      %sign3A_43 = arith.extui %sign3A_42 : i1 to i32
      %sign3A_44 = arith.constant 0 : i32
      %sign3A_45 = arith.cmpi slt, %jit3A, %sign3A_44 : i32
      %sign3A_46 = arith.extui %sign3A_45 : i1 to i32
      %sign3A_47 = arith.subi %sign3A_43, %sign3A_46 : i32
      %ne3A = arith.cmpi ne, %sign3A_40, %sign3A_47 : i32
      %rem3A = arith.remsi %scan3A_34, %jit3A : i32
      %ne3A_48 = arith.constant 0 : i32
      %ne3A_49 = arith.cmpi ne, %rem3A, %ne3A_48 : i32
      %and3A = arith.andi %ne3A, %ne3A_49 : i1
      %sub3A = arith.constant 1 : i32
      %sub3A_50 = arith.subi %div3A, %sub3A : i32
      %select_n3A = arith.select %and3A, %sub3A_50, %div3A : i32
      %jit3A_51 = arith.constant 8 : i32
      %eq3A = arith.constant 0 : i32
      %eq3A_52 = arith.cmpi eq, %jit3A_51, %eq3A : i32
      %jit3A_53 = arith.constant 1 : i32
      %select_n3A_54 = arith.select %eq3A_52, %jit3A_53, %jit3A_51 : i32
      %rem3A_55 = arith.remsi %scan3A_34, %select_n3A_54 : i32
      %ne3A_56 = arith.constant 0 : i32
      %ne3A_57 = arith.cmpi ne, %rem3A_55, %ne3A_56 : i32
      %lt3A = arith.constant 0 : i32
      %lt3A_58 = arith.cmpi slt, %rem3A_55, %lt3A : i32
      %lt3A_59 = arith.constant 0 : i32
      %lt3A_60 = arith.cmpi slt, %select_n3A_54, %lt3A_59 : i32
      %ne3A_61 = arith.xori %lt3A_58, %lt3A_60 : i1
      %and3A_62 = arith.andi %ne3A_61, %ne3A_57 : i1
      %add3A_63 = arith.addi %rem3A_55, %select_n3A_54 : i32
      %select_n3A_64 = arith.select %and3A_62, %add3A_63, %rem3A_55 : i32
      %mul3A_65 = arith.constant 16 : i32
      %mul3A_66 = arith.muli %select_n3A_64, %mul3A_65 : i32
      %get3A = arith.index_cast %select_n3A : i32 to index
      %get3A_67 = arith.index_cast %mul3A_66 : i32 to index
      %get3A_68 = tpu.vector_load %arg8[%get3A, %get3A_67] {strides = array<i32>} : memref<32x128xi32, #tpu.memory_space<vmem>>, vector<16xi32>,
      %broadcast_in_dim3A = arith.constant 0 : i32
      %broadcast_in_dim3A_69 = vector.broadcast %broadcast_in_dim3A : i32 to vector<16xi32>
      %shift_right_arithmetic3A = arith.constant 0 : i32
      %shift_right_arithmetic3A_70 = vector.broadcast %shift_right_arithmetic3A : i32 to vector<16xi32>
      %shift_right_arithmetic3A_71 = arith.shrsi %get3A_68, %shift_right_arithmetic3A_70 : vector<16xi32>
      %and3A_72 = arith.constant 255 : i32
      %and3A_73 = vector.broadcast %and3A_72 : i32 to vector<16xi32>
      %and3A_74 = arith.andi %shift_right_arithmetic3A_71, %and3A_73 : vector<16xi32>
      %add3A_75 = arith.constant 0 : i32
      %add3A_76 = arith.addi %add3A_75, %mul3A_66 : i32
      %get3A_77 = arith.index_cast %select_n3A : i32 to index
      %get3A_78 = arith.index_cast %add3A_76 : i32 to index
      %get3A_79 = tpu.vector_load %arg7[%get3A_77, %get3A_78] {strides = array<i32>} : memref<32x512xf32, #tpu.memory_space<vmem>>, vector<16xf32>,
      %gather3A = tpu.vector_load_idx %arg6[%and3A_74] : memref<32xf32, #tpu.memory_space<vmem>>[vector<16xi32>], vector<16xf32>,
      %gt3A = arith.cmpf ogt, %get3A_79, %gather3A : vector<16xf32>
      %jit3A_80 = arith.constant 1 : i32
      %jit3A_81 = arith.constant 0 : i32
      %broadcast_in_dim3A_82 = vector.broadcast %jit3A_80 : i32 to vector<16xi32>
      %broadcast_in_dim3A_83 = vector.broadcast %jit3A_81 : i32 to vector<16xi32>
      %select_n3A_84 = arith.select %gt3A, %broadcast_in_dim3A_82, %broadcast_in_dim3A_83 : vector<16xi1>, vector<16xi32>
      %or3A = arith.ori %broadcast_in_dim3A_69, %select_n3A_84 : vector<16xi32>
      %shift_right_arithmetic3A_85 = arith.constant 8 : i32
      %shift_right_arithmetic3A_86 = vector.broadcast %shift_right_arithmetic3A_85 : i32 to vector<16xi32>
      %shift_right_arithmetic3A_87 = arith.shrsi %get3A_68, %shift_right_arithmetic3A_86 : vector<16xi32>
      %and3A_88 = arith.constant 255 : i32
      %and3A_89 = vector.broadcast %and3A_88 : i32 to vector<16xi32>
      %and3A_90 = arith.andi %shift_right_arithmetic3A_87, %and3A_89 : vector<16xi32>
      %add3A_91 = arith.constant 128 : i32
      %add3A_92 = arith.addi %add3A_91, %mul3A_66 : i32
      %get3A_93 = arith.index_cast %select_n3A : i32 to index
      %get3A_94 = arith.index_cast %add3A_92 : i32 to index
      %get3A_95 = tpu.vector_load %arg7[%get3A_93, %get3A_94] {strides = array<i32>} : memref<32x512xf32, #tpu.memory_space<vmem>>, vector<16xf32>,
      %gather3A_96 = tpu.vector_load_idx %arg6[%and3A_90] : memref<32xf32, #tpu.memory_space<vmem>>[vector<16xi32>], vector<16xf32>,
      %gt3A_97 = arith.cmpf ogt, %get3A_95, %gather3A_96 : vector<16xf32>
      %jit3A_98 = arith.constant 256 : i32
      %jit3A_99 = arith.constant 0 : i32
      %broadcast_in_dim3A_100 = vector.broadcast %jit3A_98 : i32 to vector<16xi32>
      %broadcast_in_dim3A_101 = vector.broadcast %jit3A_99 : i32 to vector<16xi32>
      %select_n3A_102 = arith.select %gt3A_97, %broadcast_in_dim3A_100, %broadcast_in_dim3A_101 : vector<16xi1>, vector<16xi32>
      %or3A_103 = arith.ori %or3A, %select_n3A_102 : vector<16xi32>
      %shift_right_arithmetic3A_104 = arith.constant 16 : i32
      %shift_right_arithmetic3A_105 = vector.broadcast %shift_right_arithmetic3A_104 : i32 to vector<16xi32>
      %shift_right_arithmetic3A_106 = arith.shrsi %get3A_68, %shift_right_arithmetic3A_105 : vector<16xi32>
      %and3A_107 = arith.constant 255 : i32
      %and3A_108 = vector.broadcast %and3A_107 : i32 to vector<16xi32>
      %and3A_109 = arith.andi %shift_right_arithmetic3A_106, %and3A_108 : vector<16xi32>
      %add3A_110 = arith.constant 256 : i32
      %add3A_111 = arith.addi %add3A_110, %mul3A_66 : i32
      %get3A_112 = arith.index_cast %select_n3A : i32 to index
      %get3A_113 = arith.index_cast %add3A_111 : i32 to index
      %get3A_114 = tpu.vector_load %arg7[%get3A_112, %get3A_113] {strides = array<i32>} : memref<32x512xf32, #tpu.memory_space<vmem>>, vector<16xf32>,
      %gather3A_115 = tpu.vector_load_idx %arg6[%and3A_109] : memref<32xf32, #tpu.memory_space<vmem>>[vector<16xi32>], vector<16xf32>,
      %gt3A_116 = arith.cmpf ogt, %get3A_114, %gather3A_115 : vector<16xf32>
      %jit3A_117 = arith.constant 65536 : i32
      %jit3A_118 = arith.constant 0 : i32
      %broadcast_in_dim3A_119 = vector.broadcast %jit3A_117 : i32 to vector<16xi32>
      %broadcast_in_dim3A_120 = vector.broadcast %jit3A_118 : i32 to vector<16xi32>
      %select_n3A_121 = arith.select %gt3A_116, %broadcast_in_dim3A_119, %broadcast_in_dim3A_120 : vector<16xi1>, vector<16xi32>
      %or3A_122 = arith.ori %or3A_103, %select_n3A_121 : vector<16xi32>
      %shift_right_arithmetic3A_123 = arith.constant 24 : i32
      %shift_right_arithmetic3A_124 = vector.broadcast %shift_right_arithmetic3A_123 : i32 to vector<16xi32>
      %shift_right_arithmetic3A_125 = arith.shrsi %get3A_68, %shift_right_arithmetic3A_124 : vector<16xi32>
      %and3A_126 = arith.constant 255 : i32
      %and3A_127 = vector.broadcast %and3A_126 : i32 to vector<16xi32>
      %and3A_128 = arith.andi %shift_right_arithmetic3A_125, %and3A_127 : vector<16xi32>
      %add3A_129 = arith.constant 384 : i32
      %add3A_130 = arith.addi %add3A_129, %mul3A_66 : i32
      %get3A_131 = arith.index_cast %select_n3A : i32 to index
      %get3A_132 = arith.index_cast %add3A_130 : i32 to index
      %get3A_133 = tpu.vector_load %arg7[%get3A_131, %get3A_132] {strides = array<i32>} : memref<32x512xf32, #tpu.memory_space<vmem>>, vector<16xf32>,
      %gather3A_134 = tpu.vector_load_idx %arg6[%and3A_128] : memref<32xf32, #tpu.memory_space<vmem>>[vector<16xi32>], vector<16xf32>,
      %gt3A_135 = arith.cmpf ogt, %get3A_133, %gather3A_134 : vector<16xf32>
      %jit3A_136 = arith.constant 16777216 : i32
      %jit3A_137 = arith.constant 0 : i32
      %broadcast_in_dim3A_138 = vector.broadcast %jit3A_136 : i32 to vector<16xi32>
      %broadcast_in_dim3A_139 = vector.broadcast %jit3A_137 : i32 to vector<16xi32>
      %select_n3A_140 = arith.select %gt3A_135, %broadcast_in_dim3A_138, %broadcast_in_dim3A_139 : vector<16xi1>, vector<16xi32>
      %or3A_141 = arith.ori %or3A_122, %select_n3A_140 : vector<16xi32>
      %swap3A = arith.index_cast %select_n3A : i32 to index
      %swap3A_142 = arith.index_cast %mul3A_66 : i32 to index
      %swap3A_143 = tpu.vector_load %arg9[%swap3A, %swap3A_142] {strides = array<i32>} : memref<32x128xi32, #tpu.memory_space<vmem>>, vector<16xi32>,
      tpu.vector_store %arg9[%swap3A, %swap3A_142], %or3A_141 {strides = array<i32>} : memref<32x128xi32, #tpu.memory_space<vmem>>, vector<16xi32>,
    }
    %scan3A_17 = arith.constant 256 : i32
    "tpu.region"() ({
      %run_scoped3A = tpu.sem_alloc : memref<!tpu.dma_semaphore, #tpu.memory_space<semaphore_mem>>
      %dma_start3A = arith.constant 0 : i32
      %dma_start3A_34 = tpu.memref_slice %arg5[%add3A_11, %dma_start3A] : memref<4096x128xi32, #tpu.memory_space<hbm>> -> memref<32x128xi32, #tpu.memory_space<hbm>>
      %dma_start3A_35 = arith.constant 0 : i32
      %dma_start3A_36 = tpu.memref_slice %arg5[%add3A_11, %dma_start3A_35] : memref<4096x128xi32, #tpu.memory_space<hbm>> -> memref<32x128xi32, #tpu.memory_space<hbm>>
      tpu.enqueue_dma source(%arg9 : memref<32x128xi32, #tpu.memory_space<vmem>>) target(%dma_start3A_36 : memref<32x128xi32, #tpu.memory_space<hbm>>) target_semaphore(%run_scoped3A : memref<!tpu.dma_semaphore, #tpu.memory_space<semaphore_mem>>)
      %dma_wait3A = arith.constant 0 : i32
      %dma_wait3A_37 = tpu.memref_slice %arg5[%add3A_11, %dma_wait3A] : memref<4096x128xi32, #tpu.memory_space<hbm>> -> memref<32x128xi32, #tpu.memory_space<hbm>>
      %dma_wait3A_38 = arith.constant 0 : i32
      %dma_wait3A_39 = tpu.memref_slice %arg5[%add3A_11, %dma_wait3A_38] : memref<4096x128xi32, #tpu.memory_space<hbm>> -> memref<32x128xi32, #tpu.memory_space<hbm>>
      tpu.wait_dma2 semaphore(%run_scoped3A : memref<!tpu.dma_semaphore, #tpu.memory_space<semaphore_mem>>) src(%arg9 : memref<32x128xi32, #tpu.memory_space<vmem>>) dst(%dma_wait3A_39 : memref<32x128xi32, #tpu.memory_space<hbm>>)
      tpu.yield
    }) : () -> ()
    %add3A_18 = arith.constant 64 : i32
    %add3A_19 = arith.addi %mul3A_2, %add3A_18 : i32
    "tpu.region"() ({
      %run_scoped3A = tpu.sem_alloc : memref<!tpu.dma_semaphore, #tpu.memory_space<semaphore_mem>>
      %dma_start3A = arith.constant 0 : i32
      %dma_start3A_34 = tpu.memref_slice %arg3[%add3A_19, %dma_start3A] : memref<4096x512xf32, #tpu.memory_space<hbm>> -> memref<32x512xf32, #tpu.memory_space<hbm>>
      %dma_start3A_35 = arith.constant 0 : i32
      %dma_start3A_36 = tpu.memref_slice %arg3[%add3A_19, %dma_start3A_35] : memref<4096x512xf32, #tpu.memory_space<hbm>> -> memref<32x512xf32, #tpu.memory_space<hbm>>
      tpu.enqueue_dma source(%dma_start3A_36 : memref<32x512xf32, #tpu.memory_space<hbm>>) target(%arg7 : memref<32x512xf32, #tpu.memory_space<vmem>>) target_semaphore(%run_scoped3A : memref<!tpu.dma_semaphore, #tpu.memory_space<semaphore_mem>>)
      %dma_wait3A = arith.constant 0 : i32
      %dma_wait3A_37 = tpu.memref_slice %arg3[%add3A_19, %dma_wait3A] : memref<4096x512xf32, #tpu.memory_space<hbm>> -> memref<32x512xf32, #tpu.memory_space<hbm>>
      %dma_wait3A_38 = arith.constant 0 : i32
      %dma_wait3A_39 = tpu.memref_slice %arg3[%add3A_19, %dma_wait3A_38] : memref<4096x512xf32, #tpu.memory_space<hbm>> -> memref<32x512xf32, #tpu.memory_space<hbm>>
      tpu.wait_dma2 semaphore(%run_scoped3A : memref<!tpu.dma_semaphore, #tpu.memory_space<semaphore_mem>>) src(%dma_wait3A_39 : memref<32x512xf32, #tpu.memory_space<hbm>>) dst(%arg7 : memref<32x512xf32, #tpu.memory_space<vmem>>)
      tpu.yield
    }) : () -> ()
    "tpu.region"() ({
      %run_scoped3A = tpu.sem_alloc : memref<!tpu.dma_semaphore, #tpu.memory_space<semaphore_mem>>
      %dma_start3A = arith.constant 0 : i32
      %dma_start3A_34 = tpu.memref_slice %arg4[%add3A_19, %dma_start3A] : memref<4096x128xi32, #tpu.memory_space<hbm>> -> memref<32x128xi32, #tpu.memory_space<hbm>>
      %dma_start3A_35 = arith.constant 0 : i32
      %dma_start3A_36 = tpu.memref_slice %arg4[%add3A_19, %dma_start3A_35] : memref<4096x128xi32, #tpu.memory_space<hbm>> -> memref<32x128xi32, #tpu.memory_space<hbm>>
      tpu.enqueue_dma source(%dma_start3A_36 : memref<32x128xi32, #tpu.memory_space<hbm>>) target(%arg8 : memref<32x128xi32, #tpu.memory_space<vmem>>) target_semaphore(%run_scoped3A : memref<!tpu.dma_semaphore, #tpu.memory_space<semaphore_mem>>)
      %dma_wait3A = arith.constant 0 : i32
      %dma_wait3A_37 = tpu.memref_slice %arg4[%add3A_19, %dma_wait3A] : memref<4096x128xi32, #tpu.memory_space<hbm>> -> memref<32x128xi32, #tpu.memory_space<hbm>>
      %dma_wait3A_38 = arith.constant 0 : i32
      %dma_wait3A_39 = tpu.memref_slice %arg4[%add3A_19, %dma_wait3A_38] : memref<4096x128xi32, #tpu.memory_space<hbm>> -> memref<32x128xi32, #tpu.memory_space<hbm>>
      tpu.wait_dma2 semaphore(%run_scoped3A : memref<!tpu.dma_semaphore, #tpu.memory_space<semaphore_mem>>) src(%dma_wait3A_39 : memref<32x128xi32, #tpu.memory_space<hbm>>) dst(%arg8 : memref<32x128xi32, #tpu.memory_space<vmem>>)
      tpu.yield
    }) : () -> ()
    %scan3A_20 = arith.constant 0 : i32
    %scan3A_21 = arith.constant 0 : i32
    %scan3A_22 = arith.constant 256 : i32
    %scan3A_23 = arith.addi %scan3A_21, %scan3A_22 : i32
    %scan3A_24 = arith.constant 1 : i32
    scf.for %scan3A_34 = %scan3A_21 to %scan3A_23 step %scan3A_24  : i32 {
      %jit3A = arith.constant 8 : i32
      %div3A = arith.divsi %scan3A_34, %jit3A : i32
      %sign3A = arith.constant 0 : i32
      %sign3A_35 = arith.cmpi sgt, %scan3A_34, %sign3A : i32
      %sign3A_36 = arith.extui %sign3A_35 : i1 to i32
      %sign3A_37 = arith.constant 0 : i32
      %sign3A_38 = arith.cmpi slt, %scan3A_34, %sign3A_37 : i32
      %sign3A_39 = arith.extui %sign3A_38 : i1 to i32
      %sign3A_40 = arith.subi %sign3A_36, %sign3A_39 : i32
      %sign3A_41 = arith.constant 0 : i32
      %sign3A_42 = arith.cmpi sgt, %jit3A, %sign3A_41 : i32
      %sign3A_43 = arith.extui %sign3A_42 : i1 to i32
      %sign3A_44 = arith.constant 0 : i32
      %sign3A_45 = arith.cmpi slt, %jit3A, %sign3A_44 : i32
      %sign3A_46 = arith.extui %sign3A_45 : i1 to i32
      %sign3A_47 = arith.subi %sign3A_43, %sign3A_46 : i32
      %ne3A = arith.cmpi ne, %sign3A_40, %sign3A_47 : i32
      %rem3A = arith.remsi %scan3A_34, %jit3A : i32
      %ne3A_48 = arith.constant 0 : i32
      %ne3A_49 = arith.cmpi ne, %rem3A, %ne3A_48 : i32
      %and3A = arith.andi %ne3A, %ne3A_49 : i1
      %sub3A = arith.constant 1 : i32
      %sub3A_50 = arith.subi %div3A, %sub3A : i32
      %select_n3A = arith.select %and3A, %sub3A_50, %div3A : i32
      %jit3A_51 = arith.constant 8 : i32
      %eq3A = arith.constant 0 : i32
      %eq3A_52 = arith.cmpi eq, %jit3A_51, %eq3A : i32
      %jit3A_53 = arith.constant 1 : i32
      %select_n3A_54 = arith.select %eq3A_52, %jit3A_53, %jit3A_51 : i32
      %rem3A_55 = arith.remsi %scan3A_34, %select_n3A_54 : i32
      %ne3A_56 = arith.constant 0 : i32
      %ne3A_57 = arith.cmpi ne, %rem3A_55, %ne3A_56 : i32
      %lt3A = arith.constant 0 : i32
      %lt3A_58 = arith.cmpi slt, %rem3A_55, %lt3A : i32
      %lt3A_59 = arith.constant 0 : i32
      %lt3A_60 = arith.cmpi slt, %select_n3A_54, %lt3A_59 : i32
      %ne3A_61 = arith.xori %lt3A_58, %lt3A_60 : i1
      %and3A_62 = arith.andi %ne3A_61, %ne3A_57 : i1
      %add3A_63 = arith.addi %rem3A_55, %select_n3A_54 : i32
      %select_n3A_64 = arith.select %and3A_62, %add3A_63, %rem3A_55 : i32
      %mul3A_65 = arith.constant 16 : i32
      %mul3A_66 = arith.muli %select_n3A_64, %mul3A_65 : i32
      %get3A = arith.index_cast %select_n3A : i32 to index
      %get3A_67 = arith.index_cast %mul3A_66 : i32 to index
      %get3A_68 = tpu.vector_load %arg8[%get3A, %get3A_67] {strides = array<i32>} : memref<32x128xi32, #tpu.memory_space<vmem>>, vector<16xi32>,
      %broadcast_in_dim3A = arith.constant 0 : i32
      %broadcast_in_dim3A_69 = vector.broadcast %broadcast_in_dim3A : i32 to vector<16xi32>
      %shift_right_arithmetic3A = arith.constant 0 : i32
      %shift_right_arithmetic3A_70 = vector.broadcast %shift_right_arithmetic3A : i32 to vector<16xi32>
      %shift_right_arithmetic3A_71 = arith.shrsi %get3A_68, %shift_right_arithmetic3A_70 : vector<16xi32>
      %and3A_72 = arith.constant 255 : i32
      %and3A_73 = vector.broadcast %and3A_72 : i32 to vector<16xi32>
      %and3A_74 = arith.andi %shift_right_arithmetic3A_71, %and3A_73 : vector<16xi32>
      %add3A_75 = arith.constant 0 : i32
      %add3A_76 = arith.addi %add3A_75, %mul3A_66 : i32
      %get3A_77 = arith.index_cast %select_n3A : i32 to index
      %get3A_78 = arith.index_cast %add3A_76 : i32 to index
      %get3A_79 = tpu.vector_load %arg7[%get3A_77, %get3A_78] {strides = array<i32>} : memref<32x512xf32, #tpu.memory_space<vmem>>, vector<16xf32>,
      %gather3A = tpu.vector_load_idx %arg6[%and3A_74] : memref<32xf32, #tpu.memory_space<vmem>>[vector<16xi32>], vector<16xf32>,
      %gt3A = arith.cmpf ogt, %get3A_79, %gather3A : vector<16xf32>
      %jit3A_80 = arith.constant 1 : i32
      %jit3A_81 = arith.constant 0 : i32
      %broadcast_in_dim3A_82 = vector.broadcast %jit3A_80 : i32 to vector<16xi32>
      %broadcast_in_dim3A_83 = vector.broadcast %jit3A_81 : i32 to vector<16xi32>
      %select_n3A_84 = arith.select %gt3A, %broadcast_in_dim3A_82, %broadcast_in_dim3A_83 : vector<16xi1>, vector<16xi32>
      %or3A = arith.ori %broadcast_in_dim3A_69, %select_n3A_84 : vector<16xi32>
      %shift_right_arithmetic3A_85 = arith.constant 8 : i32
      %shift_right_arithmetic3A_86 = vector.broadcast %shift_right_arithmetic3A_85 : i32 to vector<16xi32>
      %shift_right_arithmetic3A_87 = arith.shrsi %get3A_68, %shift_right_arithmetic3A_86 : vector<16xi32>
      %and3A_88 = arith.constant 255 : i32
      %and3A_89 = vector.broadcast %and3A_88 : i32 to vector<16xi32>
      %and3A_90 = arith.andi %shift_right_arithmetic3A_87, %and3A_89 : vector<16xi32>
      %add3A_91 = arith.constant 128 : i32
      %add3A_92 = arith.addi %add3A_91, %mul3A_66 : i32
      %get3A_93 = arith.index_cast %select_n3A : i32 to index
      %get3A_94 = arith.index_cast %add3A_92 : i32 to index
      %get3A_95 = tpu.vector_load %arg7[%get3A_93, %get3A_94] {strides = array<i32>} : memref<32x512xf32, #tpu.memory_space<vmem>>, vector<16xf32>,
      %gather3A_96 = tpu.vector_load_idx %arg6[%and3A_90] : memref<32xf32, #tpu.memory_space<vmem>>[vector<16xi32>], vector<16xf32>,
      %gt3A_97 = arith.cmpf ogt, %get3A_95, %gather3A_96 : vector<16xf32>
      %jit3A_98 = arith.constant 256 : i32
      %jit3A_99 = arith.constant 0 : i32
      %broadcast_in_dim3A_100 = vector.broadcast %jit3A_98 : i32 to vector<16xi32>
      %broadcast_in_dim3A_101 = vector.broadcast %jit3A_99 : i32 to vector<16xi32>
      %select_n3A_102 = arith.select %gt3A_97, %broadcast_in_dim3A_100, %broadcast_in_dim3A_101 : vector<16xi1>, vector<16xi32>
      %or3A_103 = arith.ori %or3A, %select_n3A_102 : vector<16xi32>
      %shift_right_arithmetic3A_104 = arith.constant 16 : i32
      %shift_right_arithmetic3A_105 = vector.broadcast %shift_right_arithmetic3A_104 : i32 to vector<16xi32>
      %shift_right_arithmetic3A_106 = arith.shrsi %get3A_68, %shift_right_arithmetic3A_105 : vector<16xi32>
      %and3A_107 = arith.constant 255 : i32
      %and3A_108 = vector.broadcast %and3A_107 : i32 to vector<16xi32>
      %and3A_109 = arith.andi %shift_right_arithmetic3A_106, %and3A_108 : vector<16xi32>
      %add3A_110 = arith.constant 256 : i32
      %add3A_111 = arith.addi %add3A_110, %mul3A_66 : i32
      %get3A_112 = arith.index_cast %select_n3A : i32 to index
      %get3A_113 = arith.index_cast %add3A_111 : i32 to index
      %get3A_114 = tpu.vector_load %arg7[%get3A_112, %get3A_113] {strides = array<i32>} : memref<32x512xf32, #tpu.memory_space<vmem>>, vector<16xf32>,
      %gather3A_115 = tpu.vector_load_idx %arg6[%and3A_109] : memref<32xf32, #tpu.memory_space<vmem>>[vector<16xi32>], vector<16xf32>,
      %gt3A_116 = arith.cmpf ogt, %get3A_114, %gather3A_115 : vector<16xf32>
      %jit3A_117 = arith.constant 65536 : i32
      %jit3A_118 = arith.constant 0 : i32
      %broadcast_in_dim3A_119 = vector.broadcast %jit3A_117 : i32 to vector<16xi32>
      %broadcast_in_dim3A_120 = vector.broadcast %jit3A_118 : i32 to vector<16xi32>
      %select_n3A_121 = arith.select %gt3A_116, %broadcast_in_dim3A_119, %broadcast_in_dim3A_120 : vector<16xi1>, vector<16xi32>
      %or3A_122 = arith.ori %or3A_103, %select_n3A_121 : vector<16xi32>
      %shift_right_arithmetic3A_123 = arith.constant 24 : i32
      %shift_right_arithmetic3A_124 = vector.broadcast %shift_right_arithmetic3A_123 : i32 to vector<16xi32>
      %shift_right_arithmetic3A_125 = arith.shrsi %get3A_68, %shift_right_arithmetic3A_124 : vector<16xi32>
      %and3A_126 = arith.constant 255 : i32
      %and3A_127 = vector.broadcast %and3A_126 : i32 to vector<16xi32>
      %and3A_128 = arith.andi %shift_right_arithmetic3A_125, %and3A_127 : vector<16xi32>
      %add3A_129 = arith.constant 384 : i32
      %add3A_130 = arith.addi %add3A_129, %mul3A_66 : i32
      %get3A_131 = arith.index_cast %select_n3A : i32 to index
      %get3A_132 = arith.index_cast %add3A_130 : i32 to index
      %get3A_133 = tpu.vector_load %arg7[%get3A_131, %get3A_132] {strides = array<i32>} : memref<32x512xf32, #tpu.memory_space<vmem>>, vector<16xf32>,
      %gather3A_134 = tpu.vector_load_idx %arg6[%and3A_128] : memref<32xf32, #tpu.memory_space<vmem>>[vector<16xi32>], vector<16xf32>,
      %gt3A_135 = arith.cmpf ogt, %get3A_133, %gather3A_134 : vector<16xf32>
      %jit3A_136 = arith.constant 16777216 : i32
      %jit3A_137 = arith.constant 0 : i32
      %broadcast_in_dim3A_138 = vector.broadcast %jit3A_136 : i32 to vector<16xi32>
      %broadcast_in_dim3A_139 = vector.broadcast %jit3A_137 : i32 to vector<16xi32>
      %select_n3A_140 = arith.select %gt3A_135, %broadcast_in_dim3A_138, %broadcast_in_dim3A_139 : vector<16xi1>, vector<16xi32>
      %or3A_141 = arith.ori %or3A_122, %select_n3A_140 : vector<16xi32>
      %swap3A = arith.index_cast %select_n3A : i32 to index
      %swap3A_142 = arith.index_cast %mul3A_66 : i32 to index
      %swap3A_143 = tpu.vector_load %arg9[%swap3A, %swap3A_142] {strides = array<i32>} : memref<32x128xi32, #tpu.memory_space<vmem>>, vector<16xi32>,
      tpu.vector_store %arg9[%swap3A, %swap3A_142], %or3A_141 {strides = array<i32>} : memref<32x128xi32, #tpu.memory_space<vmem>>, vector<16xi32>,
    }
    %scan3A_25 = arith.constant 256 : i32
    "tpu.region"() ({
      %run_scoped3A = tpu.sem_alloc : memref<!tpu.dma_semaphore, #tpu.memory_space<semaphore_mem>>
      %dma_start3A = arith.constant 0 : i32
      %dma_start3A_34 = tpu.memref_slice %arg5[%add3A_19, %dma_start3A] : memref<4096x128xi32, #tpu.memory_space<hbm>> -> memref<32x128xi32, #tpu.memory_space<hbm>>
      %dma_start3A_35 = arith.constant 0 : i32
      %dma_start3A_36 = tpu.memref_slice %arg5[%add3A_19, %dma_start3A_35] : memref<4096x128xi32, #tpu.memory_space<hbm>> -> memref<32x128xi32, #tpu.memory_space<hbm>>
      tpu.enqueue_dma source(%arg9 : memref<32x128xi32, #tpu.memory_space<vmem>>) target(%dma_start3A_36 : memref<32x128xi32, #tpu.memory_space<hbm>>) target_semaphore(%run_scoped3A : memref<!tpu.dma_semaphore, #tpu.memory_space<semaphore_mem>>)
      %dma_wait3A = arith.constant 0 : i32
      %dma_wait3A_37 = tpu.memref_slice %arg5[%add3A_19, %dma_wait3A] : memref<4096x128xi32, #tpu.memory_space<hbm>> -> memref<32x128xi32, #tpu.memory_space<hbm>>
      %dma_wait3A_38 = arith.constant 0 : i32
      %dma_wait3A_39 = tpu.memref_slice %arg5[%add3A_19, %dma_wait3A_38] : memref<4096x128xi32, #tpu.memory_space<hbm>> -> memref<32x128xi32, #tpu.memory_space<hbm>>
      tpu.wait_dma2 semaphore(%run_scoped3A : memref<!tpu.dma_semaphore, #tpu.memory_space<semaphore_mem>>) src(%arg9 : memref<32x128xi32, #tpu.memory_space<vmem>>) dst(%dma_wait3A_39 : memref<32x128xi32, #tpu.memory_space<hbm>>)
      tpu.yield
    }) : () -> ()
    %add3A_26 = arith.constant 96 : i32
    %add3A_27 = arith.addi %mul3A_2, %add3A_26 : i32
    "tpu.region"() ({
      %run_scoped3A = tpu.sem_alloc : memref<!tpu.dma_semaphore, #tpu.memory_space<semaphore_mem>>
      %dma_start3A = arith.constant 0 : i32
      %dma_start3A_34 = tpu.memref_slice %arg3[%add3A_27, %dma_start3A] : memref<4096x512xf32, #tpu.memory_space<hbm>> -> memref<32x512xf32, #tpu.memory_space<hbm>>
      %dma_start3A_35 = arith.constant 0 : i32
      %dma_start3A_36 = tpu.memref_slice %arg3[%add3A_27, %dma_start3A_35] : memref<4096x512xf32, #tpu.memory_space<hbm>> -> memref<32x512xf32, #tpu.memory_space<hbm>>
      tpu.enqueue_dma source(%dma_start3A_36 : memref<32x512xf32, #tpu.memory_space<hbm>>) target(%arg7 : memref<32x512xf32, #tpu.memory_space<vmem>>) target_semaphore(%run_scoped3A : memref<!tpu.dma_semaphore, #tpu.memory_space<semaphore_mem>>)
      %dma_wait3A = arith.constant 0 : i32
      %dma_wait3A_37 = tpu.memref_slice %arg3[%add3A_27, %dma_wait3A] : memref<4096x512xf32, #tpu.memory_space<hbm>> -> memref<32x512xf32, #tpu.memory_space<hbm>>
      %dma_wait3A_38 = arith.constant 0 : i32
      %dma_wait3A_39 = tpu.memref_slice %arg3[%add3A_27, %dma_wait3A_38] : memref<4096x512xf32, #tpu.memory_space<hbm>> -> memref<32x512xf32, #tpu.memory_space<hbm>>
      tpu.wait_dma2 semaphore(%run_scoped3A : memref<!tpu.dma_semaphore, #tpu.memory_space<semaphore_mem>>) src(%dma_wait3A_39 : memref<32x512xf32, #tpu.memory_space<hbm>>) dst(%arg7 : memref<32x512xf32, #tpu.memory_space<vmem>>)
      tpu.yield
    }) : () -> ()
    "tpu.region"() ({
      %run_scoped3A = tpu.sem_alloc : memref<!tpu.dma_semaphore, #tpu.memory_space<semaphore_mem>>
      %dma_start3A = arith.constant 0 : i32
      %dma_start3A_34 = tpu.memref_slice %arg4[%add3A_27, %dma_start3A] : memref<4096x128xi32, #tpu.memory_space<hbm>> -> memref<32x128xi32, #tpu.memory_space<hbm>>
      %dma_start3A_35 = arith.constant 0 : i32
      %dma_start3A_36 = tpu.memref_slice %arg4[%add3A_27, %dma_start3A_35] : memref<4096x128xi32, #tpu.memory_space<hbm>> -> memref<32x128xi32, #tpu.memory_space<hbm>>
      tpu.enqueue_dma source(%dma_start3A_36 : memref<32x128xi32, #tpu.memory_space<hbm>>) target(%arg8 : memref<32x128xi32, #tpu.memory_space<vmem>>) target_semaphore(%run_scoped3A : memref<!tpu.dma_semaphore, #tpu.memory_space<semaphore_mem>>)
      %dma_wait3A = arith.constant 0 : i32
      %dma_wait3A_37 = tpu.memref_slice %arg4[%add3A_27, %dma_wait3A] : memref<4096x128xi32, #tpu.memory_space<hbm>> -> memref<32x128xi32, #tpu.memory_space<hbm>>
      %dma_wait3A_38 = arith.constant 0 : i32
      %dma_wait3A_39 = tpu.memref_slice %arg4[%add3A_27, %dma_wait3A_38] : memref<4096x128xi32, #tpu.memory_space<hbm>> -> memref<32x128xi32, #tpu.memory_space<hbm>>
      tpu.wait_dma2 semaphore(%run_scoped3A : memref<!tpu.dma_semaphore, #tpu.memory_space<semaphore_mem>>) src(%dma_wait3A_39 : memref<32x128xi32, #tpu.memory_space<hbm>>) dst(%arg8 : memref<32x128xi32, #tpu.memory_space<vmem>>)
      tpu.yield
    }) : () -> ()
    %scan3A_28 = arith.constant 0 : i32
    %scan3A_29 = arith.constant 0 : i32
    %scan3A_30 = arith.constant 256 : i32
    %scan3A_31 = arith.addi %scan3A_29, %scan3A_30 : i32
    %scan3A_32 = arith.constant 1 : i32
    scf.for %scan3A_34 = %scan3A_29 to %scan3A_31 step %scan3A_32  : i32 {
      %jit3A = arith.constant 8 : i32
      %div3A = arith.divsi %scan3A_34, %jit3A : i32
      %sign3A = arith.constant 0 : i32
      %sign3A_35 = arith.cmpi sgt, %scan3A_34, %sign3A : i32
      %sign3A_36 = arith.extui %sign3A_35 : i1 to i32
      %sign3A_37 = arith.constant 0 : i32
      %sign3A_38 = arith.cmpi slt, %scan3A_34, %sign3A_37 : i32
      %sign3A_39 = arith.extui %sign3A_38 : i1 to i32
      %sign3A_40 = arith.subi %sign3A_36, %sign3A_39 : i32
      %sign3A_41 = arith.constant 0 : i32
      %sign3A_42 = arith.cmpi sgt, %jit3A, %sign3A_41 : i32
      %sign3A_43 = arith.extui %sign3A_42 : i1 to i32
      %sign3A_44 = arith.constant 0 : i32
      %sign3A_45 = arith.cmpi slt, %jit3A, %sign3A_44 : i32
      %sign3A_46 = arith.extui %sign3A_45 : i1 to i32
      %sign3A_47 = arith.subi %sign3A_43, %sign3A_46 : i32
      %ne3A = arith.cmpi ne, %sign3A_40, %sign3A_47 : i32
      %rem3A = arith.remsi %scan3A_34, %jit3A : i32
      %ne3A_48 = arith.constant 0 : i32
      %ne3A_49 = arith.cmpi ne, %rem3A, %ne3A_48 : i32
      %and3A = arith.andi %ne3A, %ne3A_49 : i1
      %sub3A = arith.constant 1 : i32
      %sub3A_50 = arith.subi %div3A, %sub3A : i32
      %select_n3A = arith.select %and3A, %sub3A_50, %div3A : i32
      %jit3A_51 = arith.constant 8 : i32
      %eq3A = arith.constant 0 : i32
      %eq3A_52 = arith.cmpi eq, %jit3A_51, %eq3A : i32
      %jit3A_53 = arith.constant 1 : i32
      %select_n3A_54 = arith.select %eq3A_52, %jit3A_53, %jit3A_51 : i32
      %rem3A_55 = arith.remsi %scan3A_34, %select_n3A_54 : i32
      %ne3A_56 = arith.constant 0 : i32
      %ne3A_57 = arith.cmpi ne, %rem3A_55, %ne3A_56 : i32
      %lt3A = arith.constant 0 : i32
      %lt3A_58 = arith.cmpi slt, %rem3A_55, %lt3A : i32
      %lt3A_59 = arith.constant 0 : i32
      %lt3A_60 = arith.cmpi slt, %select_n3A_54, %lt3A_59 : i32
      %ne3A_61 = arith.xori %lt3A_58, %lt3A_60 : i1
      %and3A_62 = arith.andi %ne3A_61, %ne3A_57 : i1
      %add3A_63 = arith.addi %rem3A_55, %select_n3A_54 : i32
      %select_n3A_64 = arith.select %and3A_62, %add3A_63, %rem3A_55 : i32
      %mul3A_65 = arith.constant 16 : i32
      %mul3A_66 = arith.muli %select_n3A_64, %mul3A_65 : i32
      %get3A = arith.index_cast %select_n3A : i32 to index
      %get3A_67 = arith.index_cast %mul3A_66 : i32 to index
      %get3A_68 = tpu.vector_load %arg8[%get3A, %get3A_67] {strides = array<i32>} : memref<32x128xi32, #tpu.memory_space<vmem>>, vector<16xi32>,
      %broadcast_in_dim3A = arith.constant 0 : i32
      %broadcast_in_dim3A_69 = vector.broadcast %broadcast_in_dim3A : i32 to vector<16xi32>
      %shift_right_arithmetic3A = arith.constant 0 : i32
      %shift_right_arithmetic3A_70 = vector.broadcast %shift_right_arithmetic3A : i32 to vector<16xi32>
      %shift_right_arithmetic3A_71 = arith.shrsi %get3A_68, %shift_right_arithmetic3A_70 : vector<16xi32>
      %and3A_72 = arith.constant 255 : i32
      %and3A_73 = vector.broadcast %and3A_72 : i32 to vector<16xi32>
      %and3A_74 = arith.andi %shift_right_arithmetic3A_71, %and3A_73 : vector<16xi32>
      %add3A_75 = arith.constant 0 : i32
      %add3A_76 = arith.addi %add3A_75, %mul3A_66 : i32
      %get3A_77 = arith.index_cast %select_n3A : i32 to index
      %get3A_78 = arith.index_cast %add3A_76 : i32 to index
      %get3A_79 = tpu.vector_load %arg7[%get3A_77, %get3A_78] {strides = array<i32>} : memref<32x512xf32, #tpu.memory_space<vmem>>, vector<16xf32>,
      %gather3A = tpu.vector_load_idx %arg6[%and3A_74] : memref<32xf32, #tpu.memory_space<vmem>>[vector<16xi32>], vector<16xf32>,
      %gt3A = arith.cmpf ogt, %get3A_79, %gather3A : vector<16xf32>
      %jit3A_80 = arith.constant 1 : i32
      %jit3A_81 = arith.constant 0 : i32
      %broadcast_in_dim3A_82 = vector.broadcast %jit3A_80 : i32 to vector<16xi32>
      %broadcast_in_dim3A_83 = vector.broadcast %jit3A_81 : i32 to vector<16xi32>
      %select_n3A_84 = arith.select %gt3A, %broadcast_in_dim3A_82, %broadcast_in_dim3A_83 : vector<16xi1>, vector<16xi32>
      %or3A = arith.ori %broadcast_in_dim3A_69, %select_n3A_84 : vector<16xi32>
      %shift_right_arithmetic3A_85 = arith.constant 8 : i32
      %shift_right_arithmetic3A_86 = vector.broadcast %shift_right_arithmetic3A_85 : i32 to vector<16xi32>
      %shift_right_arithmetic3A_87 = arith.shrsi %get3A_68, %shift_right_arithmetic3A_86 : vector<16xi32>
      %and3A_88 = arith.constant 255 : i32
      %and3A_89 = vector.broadcast %and3A_88 : i32 to vector<16xi32>
      %and3A_90 = arith.andi %shift_right_arithmetic3A_87, %and3A_89 : vector<16xi32>
      %add3A_91 = arith.constant 128 : i32
      %add3A_92 = arith.addi %add3A_91, %mul3A_66 : i32
      %get3A_93 = arith.index_cast %select_n3A : i32 to index
      %get3A_94 = arith.index_cast %add3A_92 : i32 to index
      %get3A_95 = tpu.vector_load %arg7[%get3A_93, %get3A_94] {strides = array<i32>} : memref<32x512xf32, #tpu.memory_space<vmem>>, vector<16xf32>,
      %gather3A_96 = tpu.vector_load_idx %arg6[%and3A_90] : memref<32xf32, #tpu.memory_space<vmem>>[vector<16xi32>], vector<16xf32>,
      %gt3A_97 = arith.cmpf ogt, %get3A_95, %gather3A_96 : vector<16xf32>
      %jit3A_98 = arith.constant 256 : i32
      %jit3A_99 = arith.constant 0 : i32
      %broadcast_in_dim3A_100 = vector.broadcast %jit3A_98 : i32 to vector<16xi32>
      %broadcast_in_dim3A_101 = vector.broadcast %jit3A_99 : i32 to vector<16xi32>
      %select_n3A_102 = arith.select %gt3A_97, %broadcast_in_dim3A_100, %broadcast_in_dim3A_101 : vector<16xi1>, vector<16xi32>
      %or3A_103 = arith.ori %or3A, %select_n3A_102 : vector<16xi32>
      %shift_right_arithmetic3A_104 = arith.constant 16 : i32
      %shift_right_arithmetic3A_105 = vector.broadcast %shift_right_arithmetic3A_104 : i32 to vector<16xi32>
      %shift_right_arithmetic3A_106 = arith.shrsi %get3A_68, %shift_right_arithmetic3A_105 : vector<16xi32>
      %and3A_107 = arith.constant 255 : i32
      %and3A_108 = vector.broadcast %and3A_107 : i32 to vector<16xi32>
      %and3A_109 = arith.andi %shift_right_arithmetic3A_106, %and3A_108 : vector<16xi32>
      %add3A_110 = arith.constant 256 : i32
      %add3A_111 = arith.addi %add3A_110, %mul3A_66 : i32
      %get3A_112 = arith.index_cast %select_n3A : i32 to index
      %get3A_113 = arith.index_cast %add3A_111 : i32 to index
      %get3A_114 = tpu.vector_load %arg7[%get3A_112, %get3A_113] {strides = array<i32>} : memref<32x512xf32, #tpu.memory_space<vmem>>, vector<16xf32>,
      %gather3A_115 = tpu.vector_load_idx %arg6[%and3A_109] : memref<32xf32, #tpu.memory_space<vmem>>[vector<16xi32>], vector<16xf32>,
      %gt3A_116 = arith.cmpf ogt, %get3A_114, %gather3A_115 : vector<16xf32>
      %jit3A_117 = arith.constant 65536 : i32
      %jit3A_118 = arith.constant 0 : i32
      %broadcast_in_dim3A_119 = vector.broadcast %jit3A_117 : i32 to vector<16xi32>
      %broadcast_in_dim3A_120 = vector.broadcast %jit3A_118 : i32 to vector<16xi32>
      %select_n3A_121 = arith.select %gt3A_116, %broadcast_in_dim3A_119, %broadcast_in_dim3A_120 : vector<16xi1>, vector<16xi32>
      %or3A_122 = arith.ori %or3A_103, %select_n3A_121 : vector<16xi32>
      %shift_right_arithmetic3A_123 = arith.constant 24 : i32
      %shift_right_arithmetic3A_124 = vector.broadcast %shift_right_arithmetic3A_123 : i32 to vector<16xi32>
      %shift_right_arithmetic3A_125 = arith.shrsi %get3A_68, %shift_right_arithmetic3A_124 : vector<16xi32>
      %and3A_126 = arith.constant 255 : i32
      %and3A_127 = vector.broadcast %and3A_126 : i32 to vector<16xi32>
      %and3A_128 = arith.andi %shift_right_arithmetic3A_125, %and3A_127 : vector<16xi32>
      %add3A_129 = arith.constant 384 : i32
      %add3A_130 = arith.addi %add3A_129, %mul3A_66 : i32
      %get3A_131 = arith.index_cast %select_n3A : i32 to index
      %get3A_132 = arith.index_cast %add3A_130 : i32 to index
      %get3A_133 = tpu.vector_load %arg7[%get3A_131, %get3A_132] {strides = array<i32>} : memref<32x512xf32, #tpu.memory_space<vmem>>, vector<16xf32>,
      %gather3A_134 = tpu.vector_load_idx %arg6[%and3A_128] : memref<32xf32, #tpu.memory_space<vmem>>[vector<16xi32>], vector<16xf32>,
      %gt3A_135 = arith.cmpf ogt, %get3A_133, %gather3A_134 : vector<16xf32>
      %jit3A_136 = arith.constant 16777216 : i32
      %jit3A_137 = arith.constant 0 : i32
      %broadcast_in_dim3A_138 = vector.broadcast %jit3A_136 : i32 to vector<16xi32>
      %broadcast_in_dim3A_139 = vector.broadcast %jit3A_137 : i32 to vector<16xi32>
      %select_n3A_140 = arith.select %gt3A_135, %broadcast_in_dim3A_138, %broadcast_in_dim3A_139 : vector<16xi1>, vector<16xi32>
      %or3A_141 = arith.ori %or3A_122, %select_n3A_140 : vector<16xi32>
      %swap3A = arith.index_cast %select_n3A : i32 to index
      %swap3A_142 = arith.index_cast %mul3A_66 : i32 to index
      %swap3A_143 = tpu.vector_load %arg9[%swap3A, %swap3A_142] {strides = array<i32>} : memref<32x128xi32, #tpu.memory_space<vmem>>, vector<16xi32>,
      tpu.vector_store %arg9[%swap3A, %swap3A_142], %or3A_141 {strides = array<i32>} : memref<32x128xi32, #tpu.memory_space<vmem>>, vector<16xi32>,
    }
    %scan3A_33 = arith.constant 256 : i32
    "tpu.region"() ({
      %run_scoped3A = tpu.sem_alloc : memref<!tpu.dma_semaphore, #tpu.memory_space<semaphore_mem>>
      %dma_start3A = arith.constant 0 : i32
      %dma_start3A_34 = tpu.memref_slice %arg5[%add3A_27, %dma_start3A] : memref<4096x128xi32, #tpu.memory_space<hbm>> -> memref<32x128xi32, #tpu.memory_space<hbm>>
      %dma_start3A_35 = arith.constant 0 : i32
      %dma_start3A_36 = tpu.memref_slice %arg5[%add3A_27, %dma_start3A_35] : memref<4096x128xi32, #tpu.memory_space<hbm>> -> memref<32x128xi32, #tpu.memory_space<hbm>>
      tpu.enqueue_dma source(%arg9 : memref<32x128xi32, #tpu.memory_space<vmem>>) target(%dma_start3A_36 : memref<32x128xi32, #tpu.memory_space<hbm>>) target_semaphore(%run_scoped3A : memref<!tpu.dma_semaphore, #tpu.memory_space<semaphore_mem>>)
      %dma_wait3A = arith.constant 0 : i32
      %dma_wait3A_37 = tpu.memref_slice %arg5[%add3A_27, %dma_wait3A] : memref<4096x128xi32, #tpu.memory_space<hbm>> -> memref<32x128xi32, #tpu.memory_space<hbm>>
      %dma_wait3A_38 = arith.constant 0 : i32
      %dma_wait3A_39 = tpu.memref_slice %arg5[%add3A_27, %dma_wait3A_38] : memref<4096x128xi32, #tpu.memory_space<hbm>> -> memref<32x128xi32, #tpu.memory_space<hbm>>
      tpu.wait_dma2 semaphore(%run_scoped3A : memref<!tpu.dma_semaphore, #tpu.memory_space<semaphore_mem>>) src(%arg9 : memref<32x128xi32, #tpu.memory_space<vmem>>) dst(%dma_wait3A_39 : memref<32x128xi32, #tpu.memory_space<hbm>>)
      tpu.yield
    }) : () -> ()
    return
  }
}

module attributes {stable_mosaic.version = 14 : i64} {
  func.func @_phase1_kernel(%arg0: i32, %arg1: i32, %arg2: memref<1x21x64x512xf32, #tpu.memory_space<vmem>>, %arg3: memref<64x512xf32, #tpu.memory_space<vmem>>, %arg4: memref<64x128xi32, #tpu.memory_space<vmem>>, %arg5: memref<1x21xf32, #tpu.memory_space<vmem>>, %arg6: memref<1x32xf32, #tpu.memory_space<vmem>>) attributes {dimension_semantics = [#tpu.dimension_semantics<arbitrary>, #tpu.dimension_semantics<arbitrary>], iteration_bounds = array<i64: 8, 8>, scalar_prefetch = 0 : i64, scratch_operands = 0 : i64, tpu.core_type = #tpu.core_type<tc>, window_params = [{transform_indices = @transform_0, window_bounds = array<i64: 1, 21, 64, 512>}, {transform_indices = @transform_1, window_bounds = array<i64: 64, 512>}, {transform_indices = @transform_2, window_bounds = array<i64: 64, 128>}, {pipeline_mode = #tpu.pipeline_mode<synchronous>, transform_indices = @transform_3, window_bounds = array<i64: 1, 21>}, {pipeline_mode = #tpu.pipeline_mode<synchronous>, transform_indices = @transform_4, window_bounds = array<i64: 1, 32>}]} {
    %eq3A = arith.constant 0 : i32
    %eq3A_0 = arith.cmpi eq, %arg0, %eq3A : i32
    %eq3A_1 = arith.constant 0 : i32
    %eq3A_2 = arith.cmpi eq, %arg1, %eq3A_1 : i32
    %and3A = arith.andi %eq3A_0, %eq3A_2 : i1
    %convert_element_type3A = arith.extui %and3A : i1 to i32
    %cond3A = arith.constant 0 : i32
    %cond3A_3 = arith.cmpi ne, %convert_element_type3A, %cond3A : i32
    scf.if %cond3A_3 {
      %broadcast_in_dim3A_299 = arith.constant 0.000000e+00 : f32
      %broadcast_in_dim3A_300 = vector.broadcast %broadcast_in_dim3A_299 : f32 to vector<1x21xf32>
      %swap3A_301 = arith.constant 0 : index
      %swap3A_302 = arith.constant 0 : index
      %swap3A_303 = vector.load %arg5[%swap3A_301, %swap3A_302] : memref<1x21xf32, #tpu.memory_space<vmem>>, vector<1x21xf32>
      tpu.vector_store %arg5[%swap3A_301, %swap3A_302], %broadcast_in_dim3A_300 {strides = array<i32>} : memref<1x21xf32, #tpu.memory_space<vmem>>, vector<1x21xf32>,
    } else {
    }
    %get3A = arith.constant 0 : index
    %get3A_4 = arith.constant 0 : index
    %get3A_5 = arith.constant 0 : index
    %get3A_6 = arith.constant 0 : index
    %get3A_7 = vector.load %arg2[%get3A, %get3A_4, %get3A_5, %get3A_6] : memref<1x21x64x512xf32, #tpu.memory_space<vmem>>, vector<1x21x64x512xf32>
    %get3A_8 = vector.shape_cast %get3A_7 : vector<1x21x64x512xf32> to vector<21x64x512xf32>
    %slice3A = vector.extract_strided_slice %get3A_8 {offsets = [0, 0, 0], sizes = [1, 64, 512], strides = [1, 1, 1]} : vector<21x64x512xf32> to vector<1x64x512xf32>
    %squeeze3A = vector.shape_cast %slice3A : vector<1x64x512xf32> to vector<64x512xf32>
    %broadcast_in_dim3A = arith.constant 0 : i32
    %broadcast_in_dim3A_9 = vector.broadcast %broadcast_in_dim3A : i32 to vector<64x512xi32>
    %slice3A_10 = vector.extract_strided_slice %get3A_8 {offsets = [1, 0, 0], sizes = [1, 64, 512], strides = [1, 1, 1]} : vector<21x64x512xf32> to vector<1x64x512xf32>
    %squeeze3A_11 = vector.shape_cast %slice3A_10 : vector<1x64x512xf32> to vector<64x512xf32>
    %gt3A = arith.cmpf ogt, %squeeze3A_11, %squeeze3A : vector<64x512xf32>
    %select_n3A = arith.select %gt3A, %squeeze3A_11, %squeeze3A : vector<64x512xi1>, vector<64x512xf32>
    %jit3A = arith.constant 1 : i32
    %broadcast_in_dim3A_12 = vector.broadcast %jit3A : i32 to vector<64x512xi32>
    %select_n3A_13 = arith.select %gt3A, %broadcast_in_dim3A_12, %broadcast_in_dim3A_9 : vector<64x512xi1>, vector<64x512xi32>
    %slice3A_14 = vector.extract_strided_slice %get3A_8 {offsets = [2, 0, 0], sizes = [1, 64, 512], strides = [1, 1, 1]} : vector<21x64x512xf32> to vector<1x64x512xf32>
    %squeeze3A_15 = vector.shape_cast %slice3A_14 : vector<1x64x512xf32> to vector<64x512xf32>
    %gt3A_16 = arith.cmpf ogt, %squeeze3A_15, %select_n3A : vector<64x512xf32>
    %select_n3A_17 = arith.select %gt3A_16, %squeeze3A_15, %select_n3A : vector<64x512xi1>, vector<64x512xf32>
    %jit3A_18 = arith.constant 2 : i32
    %broadcast_in_dim3A_19 = vector.broadcast %jit3A_18 : i32 to vector<64x512xi32>
    %select_n3A_20 = arith.select %gt3A_16, %broadcast_in_dim3A_19, %select_n3A_13 : vector<64x512xi1>, vector<64x512xi32>
    %slice3A_21 = vector.extract_strided_slice %get3A_8 {offsets = [3, 0, 0], sizes = [1, 64, 512], strides = [1, 1, 1]} : vector<21x64x512xf32> to vector<1x64x512xf32>
    %squeeze3A_22 = vector.shape_cast %slice3A_21 : vector<1x64x512xf32> to vector<64x512xf32>
    %gt3A_23 = arith.cmpf ogt, %squeeze3A_22, %select_n3A_17 : vector<64x512xf32>
    %select_n3A_24 = arith.select %gt3A_23, %squeeze3A_22, %select_n3A_17 : vector<64x512xi1>, vector<64x512xf32>
    %jit3A_25 = arith.constant 3 : i32
    %broadcast_in_dim3A_26 = vector.broadcast %jit3A_25 : i32 to vector<64x512xi32>
    %select_n3A_27 = arith.select %gt3A_23, %broadcast_in_dim3A_26, %select_n3A_20 : vector<64x512xi1>, vector<64x512xi32>
    %slice3A_28 = vector.extract_strided_slice %get3A_8 {offsets = [4, 0, 0], sizes = [1, 64, 512], strides = [1, 1, 1]} : vector<21x64x512xf32> to vector<1x64x512xf32>
    %squeeze3A_29 = vector.shape_cast %slice3A_28 : vector<1x64x512xf32> to vector<64x512xf32>
    %gt3A_30 = arith.cmpf ogt, %squeeze3A_29, %select_n3A_24 : vector<64x512xf32>
    %select_n3A_31 = arith.select %gt3A_30, %squeeze3A_29, %select_n3A_24 : vector<64x512xi1>, vector<64x512xf32>
    %jit3A_32 = arith.constant 4 : i32
    %broadcast_in_dim3A_33 = vector.broadcast %jit3A_32 : i32 to vector<64x512xi32>
    %select_n3A_34 = arith.select %gt3A_30, %broadcast_in_dim3A_33, %select_n3A_27 : vector<64x512xi1>, vector<64x512xi32>
    %slice3A_35 = vector.extract_strided_slice %get3A_8 {offsets = [5, 0, 0], sizes = [1, 64, 512], strides = [1, 1, 1]} : vector<21x64x512xf32> to vector<1x64x512xf32>
    %squeeze3A_36 = vector.shape_cast %slice3A_35 : vector<1x64x512xf32> to vector<64x512xf32>
    %gt3A_37 = arith.cmpf ogt, %squeeze3A_36, %select_n3A_31 : vector<64x512xf32>
    %select_n3A_38 = arith.select %gt3A_37, %squeeze3A_36, %select_n3A_31 : vector<64x512xi1>, vector<64x512xf32>
    %jit3A_39 = arith.constant 5 : i32
    %broadcast_in_dim3A_40 = vector.broadcast %jit3A_39 : i32 to vector<64x512xi32>
    %select_n3A_41 = arith.select %gt3A_37, %broadcast_in_dim3A_40, %select_n3A_34 : vector<64x512xi1>, vector<64x512xi32>
    %slice3A_42 = vector.extract_strided_slice %get3A_8 {offsets = [6, 0, 0], sizes = [1, 64, 512], strides = [1, 1, 1]} : vector<21x64x512xf32> to vector<1x64x512xf32>
    %squeeze3A_43 = vector.shape_cast %slice3A_42 : vector<1x64x512xf32> to vector<64x512xf32>
    %gt3A_44 = arith.cmpf ogt, %squeeze3A_43, %select_n3A_38 : vector<64x512xf32>
    %select_n3A_45 = arith.select %gt3A_44, %squeeze3A_43, %select_n3A_38 : vector<64x512xi1>, vector<64x512xf32>
    %jit3A_46 = arith.constant 6 : i32
    %broadcast_in_dim3A_47 = vector.broadcast %jit3A_46 : i32 to vector<64x512xi32>
    %select_n3A_48 = arith.select %gt3A_44, %broadcast_in_dim3A_47, %select_n3A_41 : vector<64x512xi1>, vector<64x512xi32>
    %slice3A_49 = vector.extract_strided_slice %get3A_8 {offsets = [7, 0, 0], sizes = [1, 64, 512], strides = [1, 1, 1]} : vector<21x64x512xf32> to vector<1x64x512xf32>
    %squeeze3A_50 = vector.shape_cast %slice3A_49 : vector<1x64x512xf32> to vector<64x512xf32>
    %gt3A_51 = arith.cmpf ogt, %squeeze3A_50, %select_n3A_45 : vector<64x512xf32>
    %select_n3A_52 = arith.select %gt3A_51, %squeeze3A_50, %select_n3A_45 : vector<64x512xi1>, vector<64x512xf32>
    %jit3A_53 = arith.constant 7 : i32
    %broadcast_in_dim3A_54 = vector.broadcast %jit3A_53 : i32 to vector<64x512xi32>
    %select_n3A_55 = arith.select %gt3A_51, %broadcast_in_dim3A_54, %select_n3A_48 : vector<64x512xi1>, vector<64x512xi32>
    %slice3A_56 = vector.extract_strided_slice %get3A_8 {offsets = [8, 0, 0], sizes = [1, 64, 512], strides = [1, 1, 1]} : vector<21x64x512xf32> to vector<1x64x512xf32>
    %squeeze3A_57 = vector.shape_cast %slice3A_56 : vector<1x64x512xf32> to vector<64x512xf32>
    %gt3A_58 = arith.cmpf ogt, %squeeze3A_57, %select_n3A_52 : vector<64x512xf32>
    %select_n3A_59 = arith.select %gt3A_58, %squeeze3A_57, %select_n3A_52 : vector<64x512xi1>, vector<64x512xf32>
    %jit3A_60 = arith.constant 8 : i32
    %broadcast_in_dim3A_61 = vector.broadcast %jit3A_60 : i32 to vector<64x512xi32>
    %select_n3A_62 = arith.select %gt3A_58, %broadcast_in_dim3A_61, %select_n3A_55 : vector<64x512xi1>, vector<64x512xi32>
    %slice3A_63 = vector.extract_strided_slice %get3A_8 {offsets = [9, 0, 0], sizes = [1, 64, 512], strides = [1, 1, 1]} : vector<21x64x512xf32> to vector<1x64x512xf32>
    %squeeze3A_64 = vector.shape_cast %slice3A_63 : vector<1x64x512xf32> to vector<64x512xf32>
    %gt3A_65 = arith.cmpf ogt, %squeeze3A_64, %select_n3A_59 : vector<64x512xf32>
    %select_n3A_66 = arith.select %gt3A_65, %squeeze3A_64, %select_n3A_59 : vector<64x512xi1>, vector<64x512xf32>
    %jit3A_67 = arith.constant 9 : i32
    %broadcast_in_dim3A_68 = vector.broadcast %jit3A_67 : i32 to vector<64x512xi32>
    %select_n3A_69 = arith.select %gt3A_65, %broadcast_in_dim3A_68, %select_n3A_62 : vector<64x512xi1>, vector<64x512xi32>
    %slice3A_70 = vector.extract_strided_slice %get3A_8 {offsets = [10, 0, 0], sizes = [1, 64, 512], strides = [1, 1, 1]} : vector<21x64x512xf32> to vector<1x64x512xf32>
    %squeeze3A_71 = vector.shape_cast %slice3A_70 : vector<1x64x512xf32> to vector<64x512xf32>
    %gt3A_72 = arith.cmpf ogt, %squeeze3A_71, %select_n3A_66 : vector<64x512xf32>
    %select_n3A_73 = arith.select %gt3A_72, %squeeze3A_71, %select_n3A_66 : vector<64x512xi1>, vector<64x512xf32>
    %jit3A_74 = arith.constant 10 : i32
    %broadcast_in_dim3A_75 = vector.broadcast %jit3A_74 : i32 to vector<64x512xi32>
    %select_n3A_76 = arith.select %gt3A_72, %broadcast_in_dim3A_75, %select_n3A_69 : vector<64x512xi1>, vector<64x512xi32>
    %slice3A_77 = vector.extract_strided_slice %get3A_8 {offsets = [11, 0, 0], sizes = [1, 64, 512], strides = [1, 1, 1]} : vector<21x64x512xf32> to vector<1x64x512xf32>
    %squeeze3A_78 = vector.shape_cast %slice3A_77 : vector<1x64x512xf32> to vector<64x512xf32>
    %gt3A_79 = arith.cmpf ogt, %squeeze3A_78, %select_n3A_73 : vector<64x512xf32>
    %select_n3A_80 = arith.select %gt3A_79, %squeeze3A_78, %select_n3A_73 : vector<64x512xi1>, vector<64x512xf32>
    %jit3A_81 = arith.constant 11 : i32
    %broadcast_in_dim3A_82 = vector.broadcast %jit3A_81 : i32 to vector<64x512xi32>
    %select_n3A_83 = arith.select %gt3A_79, %broadcast_in_dim3A_82, %select_n3A_76 : vector<64x512xi1>, vector<64x512xi32>
    %slice3A_84 = vector.extract_strided_slice %get3A_8 {offsets = [12, 0, 0], sizes = [1, 64, 512], strides = [1, 1, 1]} : vector<21x64x512xf32> to vector<1x64x512xf32>
    %squeeze3A_85 = vector.shape_cast %slice3A_84 : vector<1x64x512xf32> to vector<64x512xf32>
    %gt3A_86 = arith.cmpf ogt, %squeeze3A_85, %select_n3A_80 : vector<64x512xf32>
    %select_n3A_87 = arith.select %gt3A_86, %squeeze3A_85, %select_n3A_80 : vector<64x512xi1>, vector<64x512xf32>
    %jit3A_88 = arith.constant 12 : i32
    %broadcast_in_dim3A_89 = vector.broadcast %jit3A_88 : i32 to vector<64x512xi32>
    %select_n3A_90 = arith.select %gt3A_86, %broadcast_in_dim3A_89, %select_n3A_83 : vector<64x512xi1>, vector<64x512xi32>
    %slice3A_91 = vector.extract_strided_slice %get3A_8 {offsets = [13, 0, 0], sizes = [1, 64, 512], strides = [1, 1, 1]} : vector<21x64x512xf32> to vector<1x64x512xf32>
    %squeeze3A_92 = vector.shape_cast %slice3A_91 : vector<1x64x512xf32> to vector<64x512xf32>
    %gt3A_93 = arith.cmpf ogt, %squeeze3A_92, %select_n3A_87 : vector<64x512xf32>
    %select_n3A_94 = arith.select %gt3A_93, %squeeze3A_92, %select_n3A_87 : vector<64x512xi1>, vector<64x512xf32>
    %jit3A_95 = arith.constant 13 : i32
    %broadcast_in_dim3A_96 = vector.broadcast %jit3A_95 : i32 to vector<64x512xi32>
    %select_n3A_97 = arith.select %gt3A_93, %broadcast_in_dim3A_96, %select_n3A_90 : vector<64x512xi1>, vector<64x512xi32>
    %slice3A_98 = vector.extract_strided_slice %get3A_8 {offsets = [14, 0, 0], sizes = [1, 64, 512], strides = [1, 1, 1]} : vector<21x64x512xf32> to vector<1x64x512xf32>
    %squeeze3A_99 = vector.shape_cast %slice3A_98 : vector<1x64x512xf32> to vector<64x512xf32>
    %gt3A_100 = arith.cmpf ogt, %squeeze3A_99, %select_n3A_94 : vector<64x512xf32>
    %select_n3A_101 = arith.select %gt3A_100, %squeeze3A_99, %select_n3A_94 : vector<64x512xi1>, vector<64x512xf32>
    %jit3A_102 = arith.constant 14 : i32
    %broadcast_in_dim3A_103 = vector.broadcast %jit3A_102 : i32 to vector<64x512xi32>
    %select_n3A_104 = arith.select %gt3A_100, %broadcast_in_dim3A_103, %select_n3A_97 : vector<64x512xi1>, vector<64x512xi32>
    %slice3A_105 = vector.extract_strided_slice %get3A_8 {offsets = [15, 0, 0], sizes = [1, 64, 512], strides = [1, 1, 1]} : vector<21x64x512xf32> to vector<1x64x512xf32>
    %squeeze3A_106 = vector.shape_cast %slice3A_105 : vector<1x64x512xf32> to vector<64x512xf32>
    %gt3A_107 = arith.cmpf ogt, %squeeze3A_106, %select_n3A_101 : vector<64x512xf32>
    %select_n3A_108 = arith.select %gt3A_107, %squeeze3A_106, %select_n3A_101 : vector<64x512xi1>, vector<64x512xf32>
    %jit3A_109 = arith.constant 15 : i32
    %broadcast_in_dim3A_110 = vector.broadcast %jit3A_109 : i32 to vector<64x512xi32>
    %select_n3A_111 = arith.select %gt3A_107, %broadcast_in_dim3A_110, %select_n3A_104 : vector<64x512xi1>, vector<64x512xi32>
    %slice3A_112 = vector.extract_strided_slice %get3A_8 {offsets = [16, 0, 0], sizes = [1, 64, 512], strides = [1, 1, 1]} : vector<21x64x512xf32> to vector<1x64x512xf32>
    %squeeze3A_113 = vector.shape_cast %slice3A_112 : vector<1x64x512xf32> to vector<64x512xf32>
    %gt3A_114 = arith.cmpf ogt, %squeeze3A_113, %select_n3A_108 : vector<64x512xf32>
    %select_n3A_115 = arith.select %gt3A_114, %squeeze3A_113, %select_n3A_108 : vector<64x512xi1>, vector<64x512xf32>
    %jit3A_116 = arith.constant 16 : i32
    %broadcast_in_dim3A_117 = vector.broadcast %jit3A_116 : i32 to vector<64x512xi32>
    %select_n3A_118 = arith.select %gt3A_114, %broadcast_in_dim3A_117, %select_n3A_111 : vector<64x512xi1>, vector<64x512xi32>
    %slice3A_119 = vector.extract_strided_slice %get3A_8 {offsets = [17, 0, 0], sizes = [1, 64, 512], strides = [1, 1, 1]} : vector<21x64x512xf32> to vector<1x64x512xf32>
    %squeeze3A_120 = vector.shape_cast %slice3A_119 : vector<1x64x512xf32> to vector<64x512xf32>
    %gt3A_121 = arith.cmpf ogt, %squeeze3A_120, %select_n3A_115 : vector<64x512xf32>
    %select_n3A_122 = arith.select %gt3A_121, %squeeze3A_120, %select_n3A_115 : vector<64x512xi1>, vector<64x512xf32>
    %jit3A_123 = arith.constant 17 : i32
    %broadcast_in_dim3A_124 = vector.broadcast %jit3A_123 : i32 to vector<64x512xi32>
    %select_n3A_125 = arith.select %gt3A_121, %broadcast_in_dim3A_124, %select_n3A_118 : vector<64x512xi1>, vector<64x512xi32>
    %slice3A_126 = vector.extract_strided_slice %get3A_8 {offsets = [18, 0, 0], sizes = [1, 64, 512], strides = [1, 1, 1]} : vector<21x64x512xf32> to vector<1x64x512xf32>
    %squeeze3A_127 = vector.shape_cast %slice3A_126 : vector<1x64x512xf32> to vector<64x512xf32>
    %gt3A_128 = arith.cmpf ogt, %squeeze3A_127, %select_n3A_122 : vector<64x512xf32>
    %select_n3A_129 = arith.select %gt3A_128, %squeeze3A_127, %select_n3A_122 : vector<64x512xi1>, vector<64x512xf32>
    %jit3A_130 = arith.constant 18 : i32
    %broadcast_in_dim3A_131 = vector.broadcast %jit3A_130 : i32 to vector<64x512xi32>
    %select_n3A_132 = arith.select %gt3A_128, %broadcast_in_dim3A_131, %select_n3A_125 : vector<64x512xi1>, vector<64x512xi32>
    %slice3A_133 = vector.extract_strided_slice %get3A_8 {offsets = [19, 0, 0], sizes = [1, 64, 512], strides = [1, 1, 1]} : vector<21x64x512xf32> to vector<1x64x512xf32>
    %squeeze3A_134 = vector.shape_cast %slice3A_133 : vector<1x64x512xf32> to vector<64x512xf32>
    %gt3A_135 = arith.cmpf ogt, %squeeze3A_134, %select_n3A_129 : vector<64x512xf32>
    %select_n3A_136 = arith.select %gt3A_135, %squeeze3A_134, %select_n3A_129 : vector<64x512xi1>, vector<64x512xf32>
    %jit3A_137 = arith.constant 19 : i32
    %broadcast_in_dim3A_138 = vector.broadcast %jit3A_137 : i32 to vector<64x512xi32>
    %select_n3A_139 = arith.select %gt3A_135, %broadcast_in_dim3A_138, %select_n3A_132 : vector<64x512xi1>, vector<64x512xi32>
    %slice3A_140 = vector.extract_strided_slice %get3A_8 {offsets = [20, 0, 0], sizes = [1, 64, 512], strides = [1, 1, 1]} : vector<21x64x512xf32> to vector<1x64x512xf32>
    %squeeze3A_141 = vector.shape_cast %slice3A_140 : vector<1x64x512xf32> to vector<64x512xf32>
    %gt3A_142 = arith.cmpf ogt, %squeeze3A_141, %select_n3A_136 : vector<64x512xf32>
    %select_n3A_143 = arith.select %gt3A_142, %squeeze3A_141, %select_n3A_136 : vector<64x512xi1>, vector<64x512xf32>
    %jit3A_144 = arith.constant 20 : i32
    %broadcast_in_dim3A_145 = vector.broadcast %jit3A_144 : i32 to vector<64x512xi32>
    %select_n3A_146 = arith.select %gt3A_142, %broadcast_in_dim3A_145, %select_n3A_139 : vector<64x512xi1>, vector<64x512xi32>
    %slice3A_147 = vector.extract_strided_slice %get3A_8 {offsets = [0, 0, 0], sizes = [1, 64, 512], strides = [1, 1, 1]} : vector<21x64x512xf32> to vector<1x64x512xf32>
    %squeeze3A_148 = vector.shape_cast %slice3A_147 : vector<1x64x512xf32> to vector<64x512xf32>
    %sub3A = arith.subf %squeeze3A_148, %select_n3A_143 : vector<64x512xf32>
    %exp3A = math.exp %sub3A : vector<64x512xf32>
    %slice3A_149 = vector.extract_strided_slice %get3A_8 {offsets = [1, 0, 0], sizes = [1, 64, 512], strides = [1, 1, 1]} : vector<21x64x512xf32> to vector<1x64x512xf32>
    %squeeze3A_150 = vector.shape_cast %slice3A_149 : vector<1x64x512xf32> to vector<64x512xf32>
    %sub3A_151 = arith.subf %squeeze3A_150, %select_n3A_143 : vector<64x512xf32>
    %exp3A_152 = math.exp %sub3A_151 : vector<64x512xf32>
    %add3A = arith.addf %exp3A, %exp3A_152 : vector<64x512xf32>
    %slice3A_153 = vector.extract_strided_slice %get3A_8 {offsets = [2, 0, 0], sizes = [1, 64, 512], strides = [1, 1, 1]} : vector<21x64x512xf32> to vector<1x64x512xf32>
    %squeeze3A_154 = vector.shape_cast %slice3A_153 : vector<1x64x512xf32> to vector<64x512xf32>
    %sub3A_155 = arith.subf %squeeze3A_154, %select_n3A_143 : vector<64x512xf32>
    %exp3A_156 = math.exp %sub3A_155 : vector<64x512xf32>
    %add3A_157 = arith.addf %add3A, %exp3A_156 : vector<64x512xf32>
    %slice3A_158 = vector.extract_strided_slice %get3A_8 {offsets = [3, 0, 0], sizes = [1, 64, 512], strides = [1, 1, 1]} : vector<21x64x512xf32> to vector<1x64x512xf32>
    %squeeze3A_159 = vector.shape_cast %slice3A_158 : vector<1x64x512xf32> to vector<64x512xf32>
    %sub3A_160 = arith.subf %squeeze3A_159, %select_n3A_143 : vector<64x512xf32>
    %exp3A_161 = math.exp %sub3A_160 : vector<64x512xf32>
    %add3A_162 = arith.addf %add3A_157, %exp3A_161 : vector<64x512xf32>
    %slice3A_163 = vector.extract_strided_slice %get3A_8 {offsets = [4, 0, 0], sizes = [1, 64, 512], strides = [1, 1, 1]} : vector<21x64x512xf32> to vector<1x64x512xf32>
    %squeeze3A_164 = vector.shape_cast %slice3A_163 : vector<1x64x512xf32> to vector<64x512xf32>
    %sub3A_165 = arith.subf %squeeze3A_164, %select_n3A_143 : vector<64x512xf32>
    %exp3A_166 = math.exp %sub3A_165 : vector<64x512xf32>
    %add3A_167 = arith.addf %add3A_162, %exp3A_166 : vector<64x512xf32>
    %slice3A_168 = vector.extract_strided_slice %get3A_8 {offsets = [5, 0, 0], sizes = [1, 64, 512], strides = [1, 1, 1]} : vector<21x64x512xf32> to vector<1x64x512xf32>
    %squeeze3A_169 = vector.shape_cast %slice3A_168 : vector<1x64x512xf32> to vector<64x512xf32>
    %sub3A_170 = arith.subf %squeeze3A_169, %select_n3A_143 : vector<64x512xf32>
    %exp3A_171 = math.exp %sub3A_170 : vector<64x512xf32>
    %add3A_172 = arith.addf %add3A_167, %exp3A_171 : vector<64x512xf32>
    %slice3A_173 = vector.extract_strided_slice %get3A_8 {offsets = [6, 0, 0], sizes = [1, 64, 512], strides = [1, 1, 1]} : vector<21x64x512xf32> to vector<1x64x512xf32>
    %squeeze3A_174 = vector.shape_cast %slice3A_173 : vector<1x64x512xf32> to vector<64x512xf32>
    %sub3A_175 = arith.subf %squeeze3A_174, %select_n3A_143 : vector<64x512xf32>
    %exp3A_176 = math.exp %sub3A_175 : vector<64x512xf32>
    %add3A_177 = arith.addf %add3A_172, %exp3A_176 : vector<64x512xf32>
    %slice3A_178 = vector.extract_strided_slice %get3A_8 {offsets = [7, 0, 0], sizes = [1, 64, 512], strides = [1, 1, 1]} : vector<21x64x512xf32> to vector<1x64x512xf32>
    %squeeze3A_179 = vector.shape_cast %slice3A_178 : vector<1x64x512xf32> to vector<64x512xf32>
    %sub3A_180 = arith.subf %squeeze3A_179, %select_n3A_143 : vector<64x512xf32>
    %exp3A_181 = math.exp %sub3A_180 : vector<64x512xf32>
    %add3A_182 = arith.addf %add3A_177, %exp3A_181 : vector<64x512xf32>
    %slice3A_183 = vector.extract_strided_slice %get3A_8 {offsets = [8, 0, 0], sizes = [1, 64, 512], strides = [1, 1, 1]} : vector<21x64x512xf32> to vector<1x64x512xf32>
    %squeeze3A_184 = vector.shape_cast %slice3A_183 : vector<1x64x512xf32> to vector<64x512xf32>
    %sub3A_185 = arith.subf %squeeze3A_184, %select_n3A_143 : vector<64x512xf32>
    %exp3A_186 = math.exp %sub3A_185 : vector<64x512xf32>
    %add3A_187 = arith.addf %add3A_182, %exp3A_186 : vector<64x512xf32>
    %slice3A_188 = vector.extract_strided_slice %get3A_8 {offsets = [9, 0, 0], sizes = [1, 64, 512], strides = [1, 1, 1]} : vector<21x64x512xf32> to vector<1x64x512xf32>
    %squeeze3A_189 = vector.shape_cast %slice3A_188 : vector<1x64x512xf32> to vector<64x512xf32>
    %sub3A_190 = arith.subf %squeeze3A_189, %select_n3A_143 : vector<64x512xf32>
    %exp3A_191 = math.exp %sub3A_190 : vector<64x512xf32>
    %add3A_192 = arith.addf %add3A_187, %exp3A_191 : vector<64x512xf32>
    %slice3A_193 = vector.extract_strided_slice %get3A_8 {offsets = [10, 0, 0], sizes = [1, 64, 512], strides = [1, 1, 1]} : vector<21x64x512xf32> to vector<1x64x512xf32>
    %squeeze3A_194 = vector.shape_cast %slice3A_193 : vector<1x64x512xf32> to vector<64x512xf32>
    %sub3A_195 = arith.subf %squeeze3A_194, %select_n3A_143 : vector<64x512xf32>
    %exp3A_196 = math.exp %sub3A_195 : vector<64x512xf32>
    %add3A_197 = arith.addf %add3A_192, %exp3A_196 : vector<64x512xf32>
    %slice3A_198 = vector.extract_strided_slice %get3A_8 {offsets = [11, 0, 0], sizes = [1, 64, 512], strides = [1, 1, 1]} : vector<21x64x512xf32> to vector<1x64x512xf32>
    %squeeze3A_199 = vector.shape_cast %slice3A_198 : vector<1x64x512xf32> to vector<64x512xf32>
    %sub3A_200 = arith.subf %squeeze3A_199, %select_n3A_143 : vector<64x512xf32>
    %exp3A_201 = math.exp %sub3A_200 : vector<64x512xf32>
    %add3A_202 = arith.addf %add3A_197, %exp3A_201 : vector<64x512xf32>
    %slice3A_203 = vector.extract_strided_slice %get3A_8 {offsets = [12, 0, 0], sizes = [1, 64, 512], strides = [1, 1, 1]} : vector<21x64x512xf32> to vector<1x64x512xf32>
    %squeeze3A_204 = vector.shape_cast %slice3A_203 : vector<1x64x512xf32> to vector<64x512xf32>
    %sub3A_205 = arith.subf %squeeze3A_204, %select_n3A_143 : vector<64x512xf32>
    %exp3A_206 = math.exp %sub3A_205 : vector<64x512xf32>
    %add3A_207 = arith.addf %add3A_202, %exp3A_206 : vector<64x512xf32>
    %slice3A_208 = vector.extract_strided_slice %get3A_8 {offsets = [13, 0, 0], sizes = [1, 64, 512], strides = [1, 1, 1]} : vector<21x64x512xf32> to vector<1x64x512xf32>
    %squeeze3A_209 = vector.shape_cast %slice3A_208 : vector<1x64x512xf32> to vector<64x512xf32>
    %sub3A_210 = arith.subf %squeeze3A_209, %select_n3A_143 : vector<64x512xf32>
    %exp3A_211 = math.exp %sub3A_210 : vector<64x512xf32>
    %add3A_212 = arith.addf %add3A_207, %exp3A_211 : vector<64x512xf32>
    %slice3A_213 = vector.extract_strided_slice %get3A_8 {offsets = [14, 0, 0], sizes = [1, 64, 512], strides = [1, 1, 1]} : vector<21x64x512xf32> to vector<1x64x512xf32>
    %squeeze3A_214 = vector.shape_cast %slice3A_213 : vector<1x64x512xf32> to vector<64x512xf32>
    %sub3A_215 = arith.subf %squeeze3A_214, %select_n3A_143 : vector<64x512xf32>
    %exp3A_216 = math.exp %sub3A_215 : vector<64x512xf32>
    %add3A_217 = arith.addf %add3A_212, %exp3A_216 : vector<64x512xf32>
    %slice3A_218 = vector.extract_strided_slice %get3A_8 {offsets = [15, 0, 0], sizes = [1, 64, 512], strides = [1, 1, 1]} : vector<21x64x512xf32> to vector<1x64x512xf32>
    %squeeze3A_219 = vector.shape_cast %slice3A_218 : vector<1x64x512xf32> to vector<64x512xf32>
    %sub3A_220 = arith.subf %squeeze3A_219, %select_n3A_143 : vector<64x512xf32>
    %exp3A_221 = math.exp %sub3A_220 : vector<64x512xf32>
    %add3A_222 = arith.addf %add3A_217, %exp3A_221 : vector<64x512xf32>
    %slice3A_223 = vector.extract_strided_slice %get3A_8 {offsets = [16, 0, 0], sizes = [1, 64, 512], strides = [1, 1, 1]} : vector<21x64x512xf32> to vector<1x64x512xf32>
    %squeeze3A_224 = vector.shape_cast %slice3A_223 : vector<1x64x512xf32> to vector<64x512xf32>
    %sub3A_225 = arith.subf %squeeze3A_224, %select_n3A_143 : vector<64x512xf32>
    %exp3A_226 = math.exp %sub3A_225 : vector<64x512xf32>
    %add3A_227 = arith.addf %add3A_222, %exp3A_226 : vector<64x512xf32>
    %slice3A_228 = vector.extract_strided_slice %get3A_8 {offsets = [17, 0, 0], sizes = [1, 64, 512], strides = [1, 1, 1]} : vector<21x64x512xf32> to vector<1x64x512xf32>
    %squeeze3A_229 = vector.shape_cast %slice3A_228 : vector<1x64x512xf32> to vector<64x512xf32>
    %sub3A_230 = arith.subf %squeeze3A_229, %select_n3A_143 : vector<64x512xf32>
    %exp3A_231 = math.exp %sub3A_230 : vector<64x512xf32>
    %add3A_232 = arith.addf %add3A_227, %exp3A_231 : vector<64x512xf32>
    %slice3A_233 = vector.extract_strided_slice %get3A_8 {offsets = [18, 0, 0], sizes = [1, 64, 512], strides = [1, 1, 1]} : vector<21x64x512xf32> to vector<1x64x512xf32>
    %squeeze3A_234 = vector.shape_cast %slice3A_233 : vector<1x64x512xf32> to vector<64x512xf32>
    %sub3A_235 = arith.subf %squeeze3A_234, %select_n3A_143 : vector<64x512xf32>
    %exp3A_236 = math.exp %sub3A_235 : vector<64x512xf32>
    %add3A_237 = arith.addf %add3A_232, %exp3A_236 : vector<64x512xf32>
    %slice3A_238 = vector.extract_strided_slice %get3A_8 {offsets = [19, 0, 0], sizes = [1, 64, 512], strides = [1, 1, 1]} : vector<21x64x512xf32> to vector<1x64x512xf32>
    %squeeze3A_239 = vector.shape_cast %slice3A_238 : vector<1x64x512xf32> to vector<64x512xf32>
    %sub3A_240 = arith.subf %squeeze3A_239, %select_n3A_143 : vector<64x512xf32>
    %exp3A_241 = math.exp %sub3A_240 : vector<64x512xf32>
    %add3A_242 = arith.addf %add3A_237, %exp3A_241 : vector<64x512xf32>
    %slice3A_243 = vector.extract_strided_slice %get3A_8 {offsets = [20, 0, 0], sizes = [1, 64, 512], strides = [1, 1, 1]} : vector<21x64x512xf32> to vector<1x64x512xf32>
    %squeeze3A_244 = vector.shape_cast %slice3A_243 : vector<1x64x512xf32> to vector<64x512xf32>
    %sub3A_245 = arith.subf %squeeze3A_244, %select_n3A_143 : vector<64x512xf32>
    %exp3A_246 = math.exp %sub3A_245 : vector<64x512xf32>
    %add3A_247 = arith.addf %add3A_242, %exp3A_246 : vector<64x512xf32>
    %div3A = arith.constant 1.000000e+00 : f32
    %div3A_248 = vector.broadcast %div3A : f32 to vector<64x512xf32>
    %div3A_249 = arith.divf %div3A_248, %add3A_247 : vector<64x512xf32>
    %swap3A = arith.constant 0 : index
    %swap3A_250 = arith.constant 0 : index
    %swap3A_251 = vector.load %arg3[%swap3A, %swap3A_250] : memref<64x512xf32, #tpu.memory_space<vmem>>, vector<64x512xf32>
    tpu.vector_store %arg3[%swap3A, %swap3A_250], %div3A_249 {strides = array<i32>} : memref<64x512xf32, #tpu.memory_space<vmem>>, vector<64x512xf32>,
    %slice3A_252 = vector.extract_strided_slice %select_n3A_146 {offsets = [0, 0], sizes = [64, 128], strides = [1, 1]} : vector<64x512xi32> to vector<64x128xi32>
    %slice3A_253 = vector.extract_strided_slice %select_n3A_146 {offsets = [0, 128], sizes = [64, 128], strides = [1, 1]} : vector<64x512xi32> to vector<64x128xi32>
    %shift_left3A = arith.constant 8 : i32
    %shift_left3A_254 = vector.broadcast %shift_left3A : i32 to vector<64x128xi32>
    %shift_left3A_255 = arith.shli %slice3A_253, %shift_left3A_254 : vector<64x128xi32>
    %or3A = arith.ori %slice3A_252, %shift_left3A_255 : vector<64x128xi32>
    %slice3A_256 = vector.extract_strided_slice %select_n3A_146 {offsets = [0, 256], sizes = [64, 128], strides = [1, 1]} : vector<64x512xi32> to vector<64x128xi32>
    %shift_left3A_257 = arith.constant 16 : i32
    %shift_left3A_258 = vector.broadcast %shift_left3A_257 : i32 to vector<64x128xi32>
    %shift_left3A_259 = arith.shli %slice3A_256, %shift_left3A_258 : vector<64x128xi32>
    %or3A_260 = arith.ori %or3A, %shift_left3A_259 : vector<64x128xi32>
    %slice3A_261 = vector.extract_strided_slice %select_n3A_146 {offsets = [0, 384], sizes = [64, 128], strides = [1, 1]} : vector<64x512xi32> to vector<64x128xi32>
    %shift_left3A_262 = arith.constant 24 : i32
    %shift_left3A_263 = vector.broadcast %shift_left3A_262 : i32 to vector<64x128xi32>
    %shift_left3A_264 = arith.shli %slice3A_261, %shift_left3A_263 : vector<64x128xi32>
    %or3A_265 = arith.ori %or3A_260, %shift_left3A_264 : vector<64x128xi32>
    %swap3A_266 = arith.constant 0 : index
    %swap3A_267 = arith.constant 0 : index
    %swap3A_268 = vector.load %arg4[%swap3A_266, %swap3A_267] : memref<64x128xi32, #tpu.memory_space<vmem>>, vector<64x128xi32>
    tpu.vector_store %arg4[%swap3A_266, %swap3A_267], %or3A_265 {strides = array<i32>} : memref<64x128xi32, #tpu.memory_space<vmem>>, vector<64x128xi32>,
    %gt3A_269 = arith.constant 6.000000e-01 : f32
    %gt3A_270 = vector.broadcast %gt3A_269 : f32 to vector<64x512xf32>
    %gt3A_271 = arith.cmpf ogt, %div3A_249, %gt3A_270 : vector<64x512xf32>
    %convert_element_type3A_272 = arith.extui %gt3A_271 : vector<64x512xi1> to vector<64x512xi32>
    %convert_element_type3A_273 = arith.sitofp %convert_element_type3A_272 : vector<64x512xi32> to vector<64x512xf32>
    %iota3A = tpu.iota {dimensions = array<i32: 0>} : vector<21x64x512xi32>
    %broadcast_in_dim3A_274 = vector.shape_cast %select_n3A_146 : vector<64x512xi32> to vector<1x64x512xi32>
    %eq3A_275 = vector.broadcast %broadcast_in_dim3A_274 : vector<1x64x512xi32> to vector<21x64x512xi32>
    %eq3A_276 = arith.cmpi eq, %eq3A_275, %iota3A : vector<21x64x512xi32>
    %broadcast_in_dim3A_277 = vector.shape_cast %convert_element_type3A_273 : vector<64x512xf32> to vector<1x64x512xf32>
    %jit3A_278 = arith.constant 0.000000e+00 : f32
    %broadcast_in_dim3A_279 = vector.shape_cast %broadcast_in_dim3A_277 : vector<1x64x512xf32> to vector<1x64x512xf32>
    %broadcast_in_dim3A_280 = vector.broadcast %broadcast_in_dim3A_279 : vector<1x64x512xf32> to vector<21x64x512xf32>
    %broadcast_in_dim3A_281 = vector.broadcast %jit3A_278 : f32 to vector<21x64x512xf32>
    %select_n3A_282 = arith.select %eq3A_276, %broadcast_in_dim3A_280, %broadcast_in_dim3A_281 : vector<21x64x512xi1>, vector<21x64x512xf32>
    %get3A_283 = arith.constant 0 : index
    %get3A_284 = arith.constant 0 : index
    %get3A_285 = vector.load %arg5[%get3A_283, %get3A_284] : memref<1x21xf32, #tpu.memory_space<vmem>>, vector<1x21xf32>
    %reduce_sum3A = arith.constant dense<0.000000e+00> : vector<21xf32>
    %reduce_sum3A_286 = vector.multi_reduction <add>, %select_n3A_282, %reduce_sum3A [1, 2] : vector<21x64x512xf32> to vector<21xf32>
    %reshape3A = vector.shape_cast %reduce_sum3A_286 : vector<21xf32> to vector<1x21xf32>
    %add3A_287 = arith.addf %get3A_285, %reshape3A : vector<1x21xf32>
    %swap3A_288 = arith.constant 0 : index
    %swap3A_289 = arith.constant 0 : index
    %swap3A_290 = vector.load %arg5[%swap3A_288, %swap3A_289] : memref<1x21xf32, #tpu.memory_space<vmem>>, vector<1x21xf32>
    tpu.vector_store %arg5[%swap3A_288, %swap3A_289], %add3A_287 {strides = array<i32>} : memref<1x21xf32, #tpu.memory_space<vmem>>, vector<1x21xf32>,
    %eq3A_291 = arith.constant 7 : i32
    %eq3A_292 = arith.cmpi eq, %arg0, %eq3A_291 : i32
    %eq3A_293 = arith.constant 7 : i32
    %eq3A_294 = arith.cmpi eq, %arg1, %eq3A_293 : i32
    %and3A_295 = arith.andi %eq3A_292, %eq3A_294 : i1
    %convert_element_type3A_296 = arith.extui %and3A_295 : i1 to i32
    %cond3A_297 = arith.constant 0 : i32
    %cond3A_298 = arith.cmpi ne, %convert_element_type3A_296, %cond3A_297 : i32
    scf.if %cond3A_298 {
      %get3A_299 = arith.constant 0 : index
      %get3A_300 = arith.constant 0 : index
      %get3A_301 = vector.load %arg5[%get3A_299, %get3A_300] : memref<1x21xf32, #tpu.memory_space<vmem>>, vector<1x21xf32>
      %reduce_max3A = vector.shape_cast %get3A_301 : vector<1x21xf32> to vector<1x1x21xf32>
      %reduce_max3A_302 = arith.constant dense<0xFF800000> : vector<1xf32>
      %reduce_max3A_303 = vector.multi_reduction <maximumf>, %reduce_max3A, %reduce_max3A_302 [1, 2] : vector<1x1x21xf32> to vector<1xf32>
      %reduce_max3A_304 = vector.shape_cast %reduce_max3A_303 : vector<1xf32> to vector<1x1x1xf32>
      %reduce_max3A_305 = vector.extract %reduce_max3A_304[0, 0, 0] : f32 from vector<1x1x1xf32>
      %max3A = arith.constant 9.99999997E-7 : f32
      %max3A_306 = arith.maximumf %reduce_max3A_305, %max3A : f32
      %div3A_307 = vector.broadcast %max3A_306 : f32 to vector<1x21xf32>
      %div3A_308 = arith.divf %get3A_301, %div3A_307 : vector<1x21xf32>
      %min3A = arith.constant 1.000000e+00 : f32
      %min3A_309 = vector.broadcast %min3A : f32 to vector<1x21xf32>
      %min3A_310 = arith.minimumf %div3A_308, %min3A_309 : vector<1x21xf32>
      %sub3A_311 = arith.constant 2.000000e+00 : f32
      %sub3A_312 = vector.broadcast %sub3A_311 : f32 to vector<1x21xf32>
      %sub3A_313 = arith.subf %sub3A_312, %min3A_310 : vector<1x21xf32>
      %div3A_314 = arith.divf %div3A_308, %sub3A_313 : vector<1x21xf32>
      %mul3A = arith.constant 6.000000e-01 : f32
      %mul3A_315 = vector.broadcast %mul3A : f32 to vector<1x21xf32>
      %mul3A_316 = arith.mulf %div3A_314, %mul3A_315 : vector<1x21xf32>
      %jit3A_317 = arith.constant 0 : i32
      %convert_element_type3A_318 = arith.sitofp %jit3A_317 : i32 to f32
      %pad3A = vector.broadcast %convert_element_type3A_318 : f32 to vector<1x11xf32>
      %pad3A_319 = tpu.concatenate %mul3A_316, %pad3A in 1 : vector<1x21xf32>, vector<1x11xf32> -> vector<1x32xf32>
      %swap3A_320 = arith.constant 0 : index
      %swap3A_321 = arith.constant 0 : index
      %swap3A_322 = vector.load %arg6[%swap3A_320, %swap3A_321] : memref<1x32xf32, #tpu.memory_space<vmem>>, vector<1x32xf32>
      tpu.vector_store %arg6[%swap3A_320, %swap3A_321], %pad3A_319 {strides = array<i32>} : memref<1x32xf32, #tpu.memory_space<vmem>>, vector<1x32xf32>,
    } else {
    }
    return
  }
  func.func @transform_0(%arg0: i32, %arg1: i32) -> (i32, i32, i32, i32) {
    %c0_i32 = arith.constant 0 : i32
    %c0_i32_0 = arith.constant 0 : i32
    %c0_i32_1 = arith.constant 0 : i32
    return %arg0, %c0_i32, %arg1, %c0_i32_0 : i32, i32, i32, i32
  }
  func.func @transform_1(%arg0: i32, %arg1: i32) -> (i32, i32) {
    %mul3A = arith.constant 8 : i32
    %mul3A_0 = arith.muli %arg0, %mul3A : i32
    %add3A = arith.addi %mul3A_0, %arg1 : i32
    %c0_i32 = arith.constant 0 : i32
    %c0_i32_1 = arith.constant 0 : i32
    return %add3A, %c0_i32 : i32, i32
  }
  func.func @transform_2(%arg0: i32, %arg1: i32) -> (i32, i32) {
    %mul3A = arith.constant 8 : i32
    %mul3A_0 = arith.muli %arg0, %mul3A : i32
    %add3A = arith.addi %mul3A_0, %arg1 : i32
    %c0_i32 = arith.constant 0 : i32
    %c0_i32_1 = arith.constant 0 : i32
    return %add3A, %c0_i32 : i32, i32
  }
  func.func @transform_3(%arg0: i32, %arg1: i32) -> (i32, i32) {
    %c0_i32 = arith.constant 0 : i32
    %c0_i32_0 = arith.constant 0 : i32
    %c0_i32_1 = arith.constant 0 : i32
    return %c0_i32, %c0_i32_0 : i32, i32
  }
  func.func @transform_4(%arg0: i32, %arg1: i32) -> (i32, i32) {
    %c0_i32 = arith.constant 0 : i32
    %c0_i32_0 = arith.constant 0 : i32
    %c0_i32_1 = arith.constant 0 : i32
    return %c0_i32, %c0_i32_0 : i32, i32
  }
}

</mosaic_0001>

<sc_bundles>
// kernel: kernel.4.cloned.1.call-start
scs
__scs_entry_jumppad:
0x0: {  	(pc) =	sbr.rel $0x88, $3  }
0x1: {  	(tag) =	ssettag $0x0;
	lr =	simm.s32 $0x1  }
0x2: {  	[smem:$0x3FA0] =	sst lr;
	_ =	strace $0xD0000000  }
0x3: {  	_ = 	snop  }
0x4: {  	_ = 	snop  }
0x5: {  	_ = 	snop  }
0x6: {  	_ = 	snop  }
0x7: {  	_ = 	snop  }
__scs_overlays_trampoline_lowered:
0x8: {  	[smem:$0x3FAF] =	sst s0  }
0x9: {  	[smem:$0x3FB0] =	sst s1  }
0xa: {  	[smem:$0x3FB1] =	sst s2  }
0xb: {  	[smem:$0x3FB2] =	sst s3  }
0xc: {  	[smem:$0x3FB3] =	sst s4  }
0xd: {  	[smem:$0x3FB4] =	sst s5  }
0xe: {  	[smem:$0x3FB5] =	sst s6  }
0xf: {  	[smem:$0x3FB6] =	sst s7  }
0x10: {  	[smem:$0x3FB7] =	sst s8  }
0x11: {  	[smem:$0x3FB8] =	sst s9;
	s0 =	simm.s32 @!p0 $0x0  }
0x12: {  	s1 =	sld [smem:$0x3F9E];
	s0 =	simm.s32 @p0 $0x1  }
0x13: {  	[smem:$0x3FB9] =	sst s0;
	s0 =	simm.s32 @!p1 $0x0  }
0x14: {  	s2 =	sld [smem:$0x3F9D];
	s0 =	simm.s32 @p1 $0x1  }
0x15: {  	[smem:$0x3FBA] =	sst s0;
	s0 =	simm.s32 @!p2 $0x0  }
0x16: {  	s3 =	sld [smem:$0x3FDB];
	s0 =	simm.s32 @p2 $0x1  }
0x17: {  	s4 =	simm.s32 $0x1BF5;
	[smem:$0x3FBC] =	sst s0  }
0x18: {  	s0 =	sld [smem:$0x3F9F];
	_ =	swait.ge [sflag:s4], $0x0  }
0x19: {  	s7 =	sld [smem:$0x3FA0]  }
0x1a: {  	s8 =	sadd.s32 $0xFFFFE003, lr  }
0x1b: {  	s9 =	sadd.s32 $0xFFFFFEF7, lr;
	s5 =	simm.s32 $0xFFFFFFFF;
	p2 =	slt.u32 s8, $0xFFFFF086  }
0x1c: {  	p1 =	slt.u32 s9, $0xF7A;
	s5 =	simm.s32 @!p2 $0x0  }
0x1d: {  	s5 =	simm.s32 @p1 $0x1;
	p0 =	seq.s32 s7, s2  }
0x1e: {  	s7 =	smul.u32 @!p0 $0xF7A, s2;
	p2 =	seq.s32 @!p0 s5, $0x0  }
0x1f: {  	s9 =	smul.u32 $0xF7A, s1;
	s8 =	simm.s32 @!p0 $0x1BF5;
	p2 =	por !p2, p0  }
0x20: {  	[sflag:s8] =	ssyncset.s32 @!p0 $0xFFFFF086;
	s6 =	sadd.s32 @!p0 s3, s7;
	s7 =	simm.s32 @!p0 $0x108  }
0x21: {  	s3 =	sadd.s32 s3, s9;
	s6 =	sadd.s32 @!p0 $0x88, s6;
	s7 =	simm.s32 @p2 $0x1082  }
0x22: {  	[simem:s7], [sflag:s8] =	dma.local @!p0 [hbm:s6], $0xF7A  }
0x23: {  	s9 =	sor.u32 $0xD0000000, s2;
	s6 =	simm.s32 $0x108;
	_ =	swait.ge @!p0 [sflag:s8], $0x0  }
0x24: {  	s3 =	sadd.s32 $0x88, s3;
	s6 =	simm.s32 @!p1 $0x1082;
	[sflag:s4] =	ssyncset.s32 $0xFFFFF086  }
0x25: {  	[simem:s6], [sflag:s4] =	dma.local [hbm:s3], $0xF7A  }
0x26: {  	[smem:$0x3FA0] =	sst s1;
	(tag) =	ssettag s2;
	_ =	strace s9  }
0x27: {  	s1 =	sld [smem:$0x3FB0]  }
0x28: {  	s2 =	sld [smem:$0x3FB1]  }
0x29: {  	s4 =	sld [smem:$0x3FB3]  }
0x2a: {  	p0 =	seq.s32 s5, $0x0;
	s5 =	sld [smem:$0x3FB4]  }
0x2b: {  	s6 =	sld [smem:$0x3FB5]  }
0x2c: {  	s7 =	sld [smem:$0x3FB6]  }
0x2d: {  	s3 =	simm.s32 $0x108;
	s8 =	sld [smem:$0x3FB7]  }
0x2e: {  	s3 =	simm.s32 @!p0 $0x1082;
	s9 =	sld [smem:$0x3FB8]  }
0x2f: {  	lr =	sadd.s32 s0, s3;
	s0 =	sld [smem:$0x3FAF]  }
0x30: {  	s3 =	sld [smem:$0x3FB2]  }
0x31: {  	[smem:$0x3FBB] =	sst s10  }
0x32: {  	s10 =	sld [smem:$0x3FB9];
	_ =	sdelay $0x3  }
0x33: {  	p0 =	seq.s32 s10, $0x1;
	s10 =	sld [smem:$0x3FBB];
	_ =	sdelay $0x3  }
0x34: {  	[smem:$0x3FBB] =	sst s10  }
0x35: {  	s10 =	sld [smem:$0x3FBA];
	_ =	sdelay $0x3  }
0x36: {  	p1 =	seq.s32 s10, $0x1;
	s10 =	sld [smem:$0x3FBB];
	_ =	sdelay $0x3  }
0x37: {  	[smem:$0x3FBB] =	sst s10  }
0x38: {  	s10 =	sld [smem:$0x3FBC]  }
0x39: {  	_ = 	snop;
	(pc) =	sbr.ind lr, $3  }
0x3a: {  	_ = 	snop  }
0x3b: {  	_ = 	snop  }
0x3c: {  	p2 =	seq.s32 s10, $0x1;
	s10 =	sld [smem:$0x3FBB]  }
0x3d: {  	_ =	shalt  }
0x3e: {  	_ =	shalt  }
0x3f: {  	_ =	shalt  }
0x40: {  	_ =	shalt  }
0x41: {  	_ =	shalt  }
0x42: {  	_ =	shalt  }
0x43: {  	_ =	shalt  }
0x44: {  	_ =	shalt  }
0x45: {  	_ =	shalt  }
0x46: {  	_ =	shalt  }
0x47: {  	_ =	shalt  }
0x48: {  	_ =	shalt  }
0x49: {  	_ =	shalt  }
0x4a: {  	_ =	shalt  }
0x4b: {  	_ =	shalt  }
0x4c: {  	_ =	shalt  }
0x4d: {  	_ =	shalt  }
0x4e: {  	_ =	shalt  }
0x4f: {  	_ =	shalt  }
0x50: {  	_ =	shalt  }
0x51: {  	_ =	shalt  }
0x52: {  	_ =	shalt  }
0x53: {  	_ =	shalt  }
0x54: {  	_ =	shalt  }
0x55: {  	_ =	shalt  }
0x56: {  	_ =	shalt  }
0x57: {  	_ =	shalt  }
0x58: {  	_ =	shalt  }
0x59: {  	_ =	shalt  }
0x5a: {  	_ =	shalt  }
0x5b: {  	_ =	shalt  }
0x5c: {  	_ =	shalt  }
0x5d: {  	_ =	shalt  }
0x5e: {  	_ =	shalt  }
0x5f: {  	_ =	shalt  }
0x60: {  	_ =	shalt  }
0x61: {  	_ =	shalt  }
0x62: {  	_ =	shalt  }
0x63: {  	_ =	shalt  }
0x64: {  	_ =	shalt  }
0x65: {  	_ =	shalt  }
0x66: {  	_ =	shalt  }
0x67: {  	_ =	shalt  }
0x68: {  	_ =	shalt  }
0x69: {  	_ =	shalt  }
0x6a: {  	_ =	shalt  }
0x6b: {  	_ =	shalt  }
0x6c: {  	_ =	shalt  }
0x6d: {  	_ =	shalt  }
0x6e: {  	_ =	shalt  }
0x6f: {  	_ =	shalt  }
0x70: {  	_ =	shalt  }
0x71: {  	_ =	shalt  }
0x72: {  	_ =	shalt  }
0x73: {  	_ =	shalt  }
0x74: {  	_ =	shalt  }
0x75: {  	_ =	shalt  }
0x76: {  	_ =	shalt  }
0x77: {  	_ =	shalt  }
0x78: {  	_ =	shalt  }
0x79: {  	_ =	shalt  }
0x7a: {  	_ =	shalt  }
0x7b: {  	_ =	shalt  }
0x7c: {  	_ =	shalt  }
0x7d: {  	_ =	shalt  }
0x7e: {  	_ =	shalt  }
0x7f: {  	_ =	shalt  }
0x80: {  	_ =	shalt  }
0x81: {  	_ =	shalt  }
0x82: {  	_ =	shalt  }
0x83: {  	_ =	shalt  }
0x84: {  	_ =	shalt  }
0x85: {  	_ =	shalt  }
0x86: {  	_ =	shalt  }
0x87: {  	_ =	shalt  }
.Lfunc_end0:
.L_simem_size_0:
called_computation_lowered:
.L_overlay_start_0:
0x88: {  	s2 =	sld [smem:$0x3FD9]  }
0x89: {  	s3 =	sld [smem:$0x3FFE];
	_ =	sdelay $0x1  }
0x8a: {  	s1 =	srdreg.scid  }
0x8b: {  	s0 =	sand.u32 $0x1, s1  }
0x8c: {  	s14 =	sshll.u32 s0, $0xA;
	s2 =	sadd.s32 s3, s2  }
0x8d: {  	s2 =	sadd.s32 s2, s14  }
0x8e: {  	[smem:$0x3FC7] =	sst s2  }
0x8f: {  	_ = 	snop  }
0x90: {  	s2 =	sld [smem:$0x3FD0];
	_ =	sdelay $0x2  }
0x91: {  	s15 =	simm.s32 $0xA;
	s4 =	simm.s32 $0x10  }
0x92: {  	[smem:s4], [sflag:s15] =	dma.local [hbm:s2], $0x1  }
0x93: {  	_ =	swait.eq [sflag:s15], $0x1  }
0x94: {  	[sflag:s15] =	ssyncset.done $0x0  }
0x95: {  	[sflag:s15] =	ssyncadd.s32 $0xFFFFFFFF  }
0x96: {  	s16 =	sld [smem:$0x10];
	(tm) =	ssettm $0x1  }
0x97: {  	s17 =	sld [smem:$0x3FFB];
	_ =	sdelay $0x3  }
0x98: {  	_ =	strace s17  }
0x99: {  	s3 =	sld [smem:$0x3FFC];
	_ =	sdelay $0x3  }
0x9a: {  	_ =	strace s3  }
0x9b: {  	s3 =	sld [smem:$0x3FFD];
	_ =	sdelay $0x3  }
0x9c: {  	_ =	strace s3  }
0x9d: {  	_ =	strace $0x8FFFFFFF  }
0x9e: {  	s18 =	sld [smem:$0x3FDB];
	_ =	sdelay $0x1  }
0x9f: {  	s19 =	simm.s32 $_scs_section_size  }
0xa0: {  	s5 =	simm.s32 $_size__tile_overlayer_lowered;
	s6 =	simm.s32 $_tile_overlayer_lowered  }
0xa1: {  	s22 =	simm.s32 $0x1BFF;
	s21 =	sshll.u32 s6, $0x1;
	s3 =	sadd.s32 s19, s18  }
0xa2: {  	s7 =	simm.s32 $0x0;
	s20 =	sshll.u32 s5, $0x1;
	s5 =	sadd.s32 s21, s3  }
0xa3: {  	[timem:s7], [sflag:s22] =	dma.local [hbm:s5], s20  }
0xa4: {  	_ =	swait.ge [sflag:s22], s20  }
0xa5: {  	s4 =	ssub.s32 $0x0, s20;
	[sflag:s22] =	ssyncset.done $0x0  }
0xa6: {  	[sflag:s22] =	ssyncadd.s32 s4;
	_ =	sdelay $0x1  }
0xa7: {  	s23 =	simm.s32 $0x1B8B  }
0xa8: {  	_ =	swait.ge [sflag:s23], $0x1  }
0xa9: {  	[sflag:s23] =	ssyncset.done $0x0  }
0xaa: {  	s25 =	simm.s32 $0x1B8E;
	s24 =	sld [smem:$0x3FFE];
	[sflag:s23] =	ssyncadd.s32 $0xFFFFFFFF  }
0xab: {  	s26 =	simm.s32 $execute0_lowered;
	[smem:$0x3FD2] =	sst s25  }
0xac: {  	s5 =	sshll.u32 s26, $0x1;
	_ =	strace $0x80000046;
	[dreg:$0x1] =	wrdreg $0xFFFFFFFF  }
0xad: {  	s28 =	simm.s32 $_size_execute0_lowered;
	s3 =	sadd.s32 s3, s5;
	[dreg:$0x0] =	wrdreg $0x0  }
0xae: {  	s5 =	sshll.u32 s28, $0x1;
	[dreg:$0x2] =	wrdreg s3  }
0xaf: {  	[dreg:$0x3] =	wrdreg s5  }
0xb0: {  	[dreg:$0x4] =	wrdreg $0xC0  }
0xb1: {  	_ =	task [dreg:s7], $0x5FFFF  }
0xb2: {  	[dreg:$0x1] =	wrdreg $0xFFFFFFFF  }
0xb3: {  	[dreg:$0x0] =	wrdreg $0x60  }
0xb4: {  	[dreg:$0x2] =	wrdreg s24  }
0xb5: {  	[dreg:$0x3] =	wrdreg s16  }
0xb6: {  	[dreg:$0x4] =	wrdreg $0x9  }
0xb7: {  	_ =	task.clear_ibuf [dreg:s7], $0x5FFFF;
	_ =	strace $0x90000046  }
0xb8: {  	s29 =	simm.s32 $0x9;
	_ =	strace $0x80000048  }
0xb9: {  	_ =	swait.ge [sflag:s29], $0x1  }
0xba: {  	[sflag:s29] =	ssyncadd.s32 $0xFFFFFFFF  }
0xbb: {  	_ =	strace $0x90000048  }
0xbc: {  	_ =	sfence  }
0xbd: {  	s30 =	sld [smem:$0x0];
	_ =	sdelay $0x2  }
0xbe: {  	s31 =	sshll.u32 s1, $0xD;
	s1 =	sshrl.u32 s1, $0x2  }
0xbf: {  	s3 =	sand.u32 $0x4000, s31;
	s1 =	sadd.s32 s1, s30  }
0xc0: {  	s0 =	sor.u32 s3, s0;
	s1 =	sshll.u32 s1, $0x11  }
0xc1: {  	s0 =	sor.u32 s1, s0  }
0xc2: {  	s0 =	sadd.s32 $0x8F2B, s0  }
0xc3: {  	[sflag:s0] =	ssyncadd.remote.s32 $0x1  }
0xc4: {  	_ =	sfence.sel $0xFFFF  }
0xc5: {  	[dreg:$0x0] =	wrdreg $0xFFFFFFFF;
	(pc) =	sbr.abs _section_cstart, $3  }
0xc6: {  	[dreg:$0x1] =	wrdreg $0xFFFFFFFF  }
0xc7: {  	_ =	task.clear_ibuf [dreg:s7], $0x2FFFF;
	_ =	strace $0x9FFFFFFF  }
0xc8: {  	(tm) =	ssettm $0x7FFFFFFF  }
0xc9: {  	_ =	shalt  }
tec
execute0_lowered:
.L_overlay_start_1:
0x0: {  	(tag) =	ssettag $0x1  }
0x1: {  	s4 =	rddreg [dreg:$0x0]  }
0x2: {  	s14 =	rddreg [dreg:$0x1]  }
0x3: {  	s1 =	simm.s32 $0x0;
	s2 =	srdreg.scid;
	s19 =	simm.s32 $0x4080  }
0x4: {  	s20 =	simm.s32 $0x5080;
	s21 =	simm.s32 $0x0;
	[smem:$0x7FF] =	sst s1  }
0x5: {  	s3 =	sadd.s32 $0x40E00, s4;
	s5 =	sand.u32 $0x1, s2;
	s13 =	sadd.s32 $0xE00, s4  }
0x6: {  	s2 =	stileid.u32;
	s15 =	sadd.s32 $0x41000, s4;
	s6 =	ssub.s32 $0x2, s5  }
0x7: {  	s8 =	sshll.u32 s2, $0x8;
	s5 =	sshll.u32 s5, $0x7;
	s7 =	sshrl.u32 s6, $0x1  }
0x8: {  	_ =	strace $0x80000047;
	s26 =	sor.u32 s5, s8;
	s16 =	ssub.s32 s6, s7  }
0x9: {  	s5 =	sshll.u32 s26, $0x6;
	s28 =	sshll.u32 s26, $0x4;
	s12 =	sshrl.u32 s26, $0x3  }
0xa: {  	s4 =	sadd.s32 s13, s5;
	s5 =	sadd.s32 s14, s28;
	s29 =	sor.u32 $0x4, s12  }
0xb: {  	s6 =	sadd.s32 s15, s28;
	s10 =	sor.u32 $0x8, s12;
	s18 =	sor.u32 $0xC, s12  }
0xc: {  	s16 =	smax.u32 s16, $0x1;
	s30 =	sshll.u32 s29, $0x9;
	s9 =	sshll.u32 s29, $0x7  }
0xd: {  	s11 =	sshll.u32 s10, $0x9;
	s17 =	sshll.u32 s10, $0x7;
	s31 =	sshll.u32 s18, $0x9  }
0xe: {  	s18 =	sshll.u32 s18, $0x7;
	s7 =	sadd.s32 s13, s30;
	s8 =	sadd.s32 s14, s9  }
0xf: {  	s9 =	sadd.s32 s15, s9;
	s10 =	sadd.s32 s13, s11;
	s11 =	sadd.s32 s14, s17  }
0x10: {  	s12 =	sadd.s32 s15, s17;
	s13 =	sadd.s32 s13, s31;
	s14 =	sadd.s32 s14, s18  }
0x11: {  	v0 =	vimm.s32 $0x0;
	s15 =	sadd.s32 s15, s18;
	s17 =	simm.s32 $0x1;
	s18 =	simm.s32 $0x80  }
.LBB2_1:
0x12: {  	[tilespmem:s1], [sflag:$0x1] =	stream.linear.gather [hbm4b:s3+s1], $0x80, $0x38;
	[tilespmem:$0x6080] =	vst v63  }
0x13: {  	_ =	swait.ge [sflag:s17], $0x80  }
0x14: {  	[sflag:s17] =	ssyncset.done $0x0  }
0x15: {  	[sflag:s17] =	ssyncadd.s32 $0xFFFFFF80  }
0x16: {  	[tilespmem:s18], [sflag:$0x1] =	stream.linear.gather [hbm4b:s4+s1], $0x4000, $0x38;
	[tilespmem:$0x6080] =	vst v63  }
0x17: {  	_ =	swait.ge [sflag:s17], $0x4000  }
0x18: {  	[sflag:s17] =	ssyncset.done $0x0  }
0x19: {  	[sflag:s17] =	ssyncadd.s32 $0xFFFFC000  }
0x1a: {  	[tilespmem:s19], [sflag:$0x1] =	stream.linear.gather [hbm4b:s5+s1], $0x1000, $0x38;
	[tilespmem:$0x6080] =	vst v63  }
0x1b: {  	s28 =	simm.s32 $0x0;
	_ =	swait.ge [sflag:s17], $0x1000  }
0x1c: {  	s29 =	sand.u32 $0x70, s1;
	s22 =	sand.u32 $0xFFFFFF80, s28;
	[sflag:s17] =	ssyncset.done $0x0  }
0x1d: {  	s23 =	sor.u32 s29, s22;
	[sflag:s17] =	ssyncadd.s32 $0xFFFFF000  }
0x1e: {  	v1 =	vld [tilespmem:s23+$0x4080];
	_ =	sdelay $0x3  }
0x1f: {  	s30 =	simm.s32 $0x0  }
0x20: {  	s30 =	sand.u32 $0x3000, s30;
	s28 =	sand.u32 $0x380, s28;
	v2 =	vshrl.u32 v1, $0x10;
	v3 =	vshrl.u32 v1, $0x18  }
0x21: {  	s25 =	simm.s32 $0x10;
	s26 =	simm.s32 $0x10;
	s28 =	sor.u32 s28, s30;
	v4 =	vand.u32 $0xFF, v2  }
0x22: {  	s24 =	sand.u32 $0x70, s26;
	s31 =	sand.u32 $0xFFFFFF80, s25;
	s30 =	sor.u32 s29, s28;
	v5 =	vand.u32 $0xFF, v1  }
0x23: {  	s22 =	sor.u32 s24, s31;
	v8 =	vld [tilespmem:s30+$0x480];
	v2 =	vshrl.u32 v1, $0x8  }
0x24: {  	v1 =	vld [tilespmem:s22+$0x4080];
	v6 =	vand.u32 $0xFF, v2  }
0x25: {  	v2 =	vld.idx.msk [tilespmem:v3+s1+$0x0], $0xffff  }
0x26: {  	v3 =	vld.idx.msk [tilespmem:v4+s1+$0x0], $0xffff  }
0x27: {  	v4 =	vld.idx.msk [tilespmem:v5+s1+$0x0], $0xffff  }
0x28: {  	v5 =	vld [tilespmem:s30+$0x80]  }
0x29: {  	v6 =	vld.idx.msk [tilespmem:v6+s1+$0x0], $0xffff  }
0x2a: {  	s28 =	simm.s32 $0x1;
	s29 =	simm.s32 $0x2;
	v7 =	vld [tilespmem:s30+$0x880]  }
.LBB2_2:
0x2b: {  	p0 =	sne.s32 s29, $0xFF;
	v9 =	vld [tilespmem:s30+$0xC80];
	_ =	sdelay $0x1  }
0x2c: {  	v10 =	vshrl.u32 v1, $0x10;
	v11 =	vshrl.u32 v1, $0x18  }
0x2d: {  	v10 =	vand.u32 $0xFF, v10;
	vm0 =	vgt.f32 v5, v4;
	vm1 =	vgt.f32 v8, v6  }
0x2e: {  	v4 =	vsel vm0, $0x1, v0;
	v5 =	vsel vm1, $0x100, v0;
	vm0 =	vgt.f32 v7, v3  }
0x2f: {  	s30 =	sshll.u32 s29, $0x4;
	s26 =	sadd.s32 $0x10, s26;
	v3 =	vor.u32 v4, v5;
	v4 =	vsel vm0, $0x10000, v0;
	vm0 =	vgt.f32 v9, v2  }
0x30: {  	s31 =	sand.u32 $0x70, s26;
	s0 =	sand.u32 $0xFFFFFF80, s30;
	v5 =	vand.u32 $0xFF, v1;
	v2 =	vor.u32 v4, v3;
	v3 =	vsel vm0, $0x1000000, v0  }
0x31: {  	s0 =	sor.u32 s31, s0;
	v4 =	vshrl.u32 v1, $0x8;
	v2 =	vor.u32 v3, v2  }
0x32: {  	s28 =	sshll.u32 s28, $0x6;
	v6 =	vand.u32 $0xFF, v4;
	v1 =	vld [tilespmem:s0+$0x4080];
	[tilespmem:s23+$0x5080] =	vst v2;
	s23 =	smov.u32 s22;
	s22 =	smov.u32 s0  }
0x33: {  	s0 =	sand.u32 $0x3000, s28;
	s28 =	sand.u32 $0x380, s25;
	s25 =	smov.u32 s30;
	v2 =	vld.idx.msk [tilespmem:v11+s1+$0x0], $0xffff  }
0x34: {  	s0 =	sor.u32 s28, s0;
	s28 =	smov.u32 s29;
	v3 =	vld.idx.msk [tilespmem:v10+s1+$0x0], $0xffff  }
.Ltmp0:
0x35: {  	s30 =	sor.u32 s24, s0;
	s24 =	smov.u32 s31;
	v4 =	vld.idx.msk [tilespmem:v5+s1+$0x0], $0xffff;
	(pc) =	sbr.rel @p0 .LBB2_2-.Ltmp0, $4  }
0x36: {  	v5 =	vld [tilespmem:s30+$0x80]  }
0x37: {  	v6 =	vld.idx.msk [tilespmem:v6+s1+$0x0], $0xffff  }
0x38: {  	v8 =	vld [tilespmem:s30+$0x480]  }
0x39: {  	s29 =	sadd.s32 $0x1, s29;
	v7 =	vld [tilespmem:s30+$0x880]  }
0x3a: {  	v9 =	vld [tilespmem:s30+$0xC80];
	_ =	sdelay $0x1  }
0x3b: {  	v10 =	vshrl.u32 v1, $0x10;
	v11 =	vshrl.u32 v1, $0x18  }
0x3c: {  	v10 =	vand.u32 $0xFF, v10;
	vm0 =	vgt.f32 v5, v4;
	vm1 =	vgt.f32 v8, v6  }
0x3d: {  	v4 =	vsel vm0, $0x1, v0;
	v5 =	vsel vm1, $0x100, v0;
	vm10 =	vgt.f32 v7, v3  }
0x3e: {  	v3 =	vor.u32 v4, v5;
	v4 =	vsel vm10, $0x10000, v0;
	vm11 =	vgt.f32 v9, v2  }
0x3f: {  	v3 =	vor.u32 v4, v3;
	v4 =	vsel vm11, $0x1000000, v0  }
0x40: {  	s0 =	sshll.u32 s28, $0x6;
	v3 =	vor.u32 v4, v3  }
0x41: {  	s31 =	sand.u32 $0x380, s25;
	s0 =	sand.u32 $0x3000, s0;
	v2 =	vand.u32 $0xFF, v1;
	v1 =	vshrl.u32 v1, $0x8;
	[tilespmem:s23+$0x5080] =	vst v3  }
0x42: {  	s0 =	sor.u32 s31, s0;
	v1 =	vand.u32 $0xFF, v1;
	v3 =	vld.idx.msk [tilespmem:v11+s1+$0x0], $0xffff  }
0x43: {  	s0 =	sor.u32 s24, s0;
	v4 =	vld.idx.msk [tilespmem:v10+s1+$0x0], $0xffff  }
0x44: {  	v5 =	vld [tilespmem:s0+$0x80]  }
0x45: {  	v6 =	vld [tilespmem:s0+$0x480]  }
0x46: {  	v2 =	vld.idx.msk [tilespmem:v2+s1+$0x0], $0xffff  }
0x47: {  	v1 =	vld.idx.msk [tilespmem:v1+s1+$0x0], $0xffff  }
0x48: {  	v7 =	vld [tilespmem:s0+$0x880]  }
0x49: {  	v8 =	vld [tilespmem:s0+$0xC80];
	_ =	sdelay $0x2  }
0x4a: {  	vm12 =	vgt.f32 v5, v2;
	vm13 =	vgt.f32 v6, v1  }
0x4b: {  	vm14 =	vgt.f32 v7, v4;
	v1 =	vsel vm12, $0x1, v0;
	v2 =	vsel vm13, $0x100, v0  }
0x4c: {  	vm15 =	vgt.f32 v8, v3;
	v1 =	vor.u32 v1, v2;
	v2 =	vsel vm14, $0x10000, v0  }
0x4d: {  	v1 =	vor.u32 v2, v1;
	v2 =	vsel vm15, $0x1000000, v0  }
0x4e: {  	v1 =	vor.u32 v2, v1  }
0x4f: {  	s25 =	simm.s32 $0x0;
	[tilespmem:s22+$0x5080] =	vst v1  }
0x50: {  	[hbm4b:s6+s25] =	stream.linear.scatter [tilespmem:s20], [sflag:$0x1], $0x1000, $0x38;
	[tilespmem:$0x6080] =	vst v63  }
0x51: {  	_ =	swait.ge [sflag:s17], $0x1000  }
0x52: {  	[sflag:s17] =	ssyncset.done $0x0  }
0x53: {  	[sflag:s17] =	ssyncadd.s32 $0xFFFFF000  }
0x54: {  	[tilespmem:s18], [sflag:$0x1] =	stream.linear.gather [hbm4b:s7+s25], $0x4000, $0x38;
	[tilespmem:$0x6080] =	vst v63  }
0x55: {  	_ =	swait.ge [sflag:s17], $0x4000  }
0x56: {  	[sflag:s17] =	ssyncset.done $0x0  }
0x57: {  	[sflag:s17] =	ssyncadd.s32 $0xFFFFC000  }
0x58: {  	[tilespmem:s19], [sflag:$0x1] =	stream.linear.gather [hbm4b:s8+s25], $0x1000, $0x38;
	[tilespmem:$0x6080] =	vst v63  }
0x59: {  	s28 =	simm.s32 $0x0;
	_ =	swait.ge [sflag:s17], $0x1000  }
0x5a: {  	s26 =	sand.u32 $0xFFFFFF80, s28;
	s0 =	sand.u32 $0x70, s25;
	[sflag:s17] =	ssyncset.done $0x0  }
0x5b: {  	s23 =	sor.u32 s0, s26;
	[sflag:s17] =	ssyncadd.s32 $0xFFFFF000  }
0x5c: {  	v1 =	vld [tilespmem:s23+$0x4080];
	_ =	sdelay $0x3  }
0x5d: {  	s29 =	simm.s32 $0x0  }
0x5e: {  	s29 =	sand.u32 $0x3000, s29;
	s28 =	sand.u32 $0x380, s28;
	v2 =	vshrl.u32 v1, $0x10;
	v3 =	vshrl.u32 v1, $0x18  }
0x5f: {  	s28 =	sor.u32 s28, s29;
	s26 =	simm.s32 $0x10;
	s25 =	simm.s32 $0x10;
	v4 =	vand.u32 $0xFF, v2  }
0x60: {  	s30 =	sor.u32 s0, s28;
	s24 =	sand.u32 $0x70, s26;
	s31 =	sand.u32 $0xFFFFFF80, s25;
	v5 =	vand.u32 $0xFF, v1  }
0x61: {  	s22 =	sor.u32 s24, s31;
	v8 =	vld [tilespmem:s30+$0x480];
	v2 =	vshrl.u32 v1, $0x8  }
0x62: {  	v1 =	vld [tilespmem:s22+$0x4080];
	v6 =	vand.u32 $0xFF, v2  }
0x63: {  	v2 =	vld.idx.msk [tilespmem:v3+s1+$0x0], $0xffff  }
0x64: {  	v3 =	vld.idx.msk [tilespmem:v4+s1+$0x0], $0xffff  }
0x65: {  	v4 =	vld.idx.msk [tilespmem:v5+s1+$0x0], $0xffff  }
0x66: {  	v5 =	vld [tilespmem:s30+$0x80]  }
0x67: {  	v6 =	vld.idx.msk [tilespmem:v6+s1+$0x0], $0xffff  }
0x68: {  	s29 =	simm.s32 $0x2;
	s28 =	simm.s32 $0x1;
	v7 =	vld [tilespmem:s30+$0x880]  }
.LBB2_4:
0x69: {  	p0 =	sne.s32 s29, $0xFF;
	v9 =	vld [tilespmem:s30+$0xC80];
	_ =	sdelay $0x1  }
0x6a: {  	v10 =	vshrl.u32 v1, $0x10;
	v11 =	vshrl.u32 v1, $0x18  }
0x6b: {  	v10 =	vand.u32 $0xFF, v10;
	vm0 =	vgt.f32 v5, v4;
	vm1 =	vgt.f32 v8, v6  }
0x6c: {  	v4 =	vsel vm0, $0x1, v0;
	v5 =	vsel vm1, $0x100, v0;
	vm0 =	vgt.f32 v7, v3  }
0x6d: {  	s0 =	sshll.u32 s29, $0x4;
	s26 =	sadd.s32 $0x10, s26;
	v3 =	vor.u32 v4, v5;
	v4 =	vsel vm0, $0x10000, v0;
	vm0 =	vgt.f32 v9, v2  }
0x6e: {  	s31 =	sand.u32 $0x70, s26;
	s30 =	sand.u32 $0xFFFFFF80, s0;
	v5 =	vand.u32 $0xFF, v1;
	v2 =	vor.u32 v4, v3;
	v3 =	vsel vm0, $0x1000000, v0  }
0x6f: {  	s30 =	sor.u32 s31, s30;
	v4 =	vshrl.u32 v1, $0x8;
	v2 =	vor.u32 v3, v2  }
0x70: {  	s28 =	sshll.u32 s28, $0x6;
	v6 =	vand.u32 $0xFF, v4;
	v1 =	vld [tilespmem:s30+$0x4080];
	[tilespmem:s23+$0x5080] =	vst v2;
	s23 =	smov.u32 s22;
	s22 =	smov.u32 s30  }
0x71: {  	s28 =	sand.u32 $0x3000, s28;
	s30 =	sand.u32 $0x380, s25;
	s25 =	smov.u32 s0;
	v2 =	vld.idx.msk [tilespmem:v11+s1+$0x0], $0xffff  }
0x72: {  	s0 =	sor.u32 s30, s28;
	s28 =	smov.u32 s29;
	v3 =	vld.idx.msk [tilespmem:v10+s1+$0x0], $0xffff  }
.Ltmp1:
0x73: {  	s30 =	sor.u32 s24, s0;
	s24 =	smov.u32 s31;
	v4 =	vld.idx.msk [tilespmem:v5+s1+$0x0], $0xffff;
	(pc) =	sbr.rel @p0 .LBB2_4-.Ltmp1, $4  }
0x74: {  	v5 =	vld [tilespmem:s30+$0x80]  }
0x75: {  	v6 =	vld.idx.msk [tilespmem:v6+s1+$0x0], $0xffff  }
0x76: {  	v8 =	vld [tilespmem:s30+$0x480]  }
0x77: {  	s29 =	sadd.s32 $0x1, s29;
	v7 =	vld [tilespmem:s30+$0x880]  }
0x78: {  	v9 =	vld [tilespmem:s30+$0xC80];
	_ =	sdelay $0x1  }
0x79: {  	v10 =	vshrl.u32 v1, $0x10;
	v11 =	vshrl.u32 v1, $0x18  }
0x7a: {  	v10 =	vand.u32 $0xFF, v10;
	vm0 =	vgt.f32 v5, v4;
	vm1 =	vgt.f32 v8, v6  }
0x7b: {  	v4 =	vsel vm0, $0x1, v0;
	v5 =	vsel vm1, $0x100, v0;
	vm10 =	vgt.f32 v7, v3  }
0x7c: {  	v3 =	vor.u32 v4, v5;
	v4 =	vsel vm10, $0x10000, v0;
	vm11 =	vgt.f32 v9, v2  }
0x7d: {  	v3 =	vor.u32 v4, v3;
	v4 =	vsel vm11, $0x1000000, v0  }
0x7e: {  	s0 =	sshll.u32 s28, $0x6;
	v3 =	vor.u32 v4, v3  }
0x7f: {  	s31 =	sand.u32 $0x380, s25;
	s0 =	sand.u32 $0x3000, s0;
	v2 =	vand.u32 $0xFF, v1;
	v1 =	vshrl.u32 v1, $0x8;
	[tilespmem:s23+$0x5080] =	vst v3  }
0x80: {  	s0 =	sor.u32 s31, s0;
	v1 =	vand.u32 $0xFF, v1;
	v3 =	vld.idx.msk [tilespmem:v11+s1+$0x0], $0xffff  }
0x81: {  	s0 =	sor.u32 s24, s0;
	v4 =	vld.idx.msk [tilespmem:v10+s1+$0x0], $0xffff  }
0x82: {  	v5 =	vld [tilespmem:s0+$0x80]  }
0x83: {  	v6 =	vld [tilespmem:s0+$0x480]  }
0x84: {  	v2 =	vld.idx.msk [tilespmem:v2+s1+$0x0], $0xffff  }
0x85: {  	v1 =	vld.idx.msk [tilespmem:v1+s1+$0x0], $0xffff  }
0x86: {  	v7 =	vld [tilespmem:s0+$0x880]  }
0x87: {  	v8 =	vld [tilespmem:s0+$0xC80];
	_ =	sdelay $0x2  }
0x88: {  	vm12 =	vgt.f32 v5, v2;
	vm13 =	vgt.f32 v6, v1  }
0x89: {  	vm14 =	vgt.f32 v7, v4;
	v1 =	vsel vm12, $0x1, v0;
	v2 =	vsel vm13, $0x100, v0  }
0x8a: {  	vm15 =	vgt.f32 v8, v3;
	v1 =	vor.u32 v1, v2;
	v2 =	vsel vm14, $0x10000, v0  }
0x8b: {  	v1 =	vor.u32 v2, v1;
	v2 =	vsel vm15, $0x1000000, v0  }
0x8c: {  	v1 =	vor.u32 v2, v1  }
0x8d: {  	s25 =	simm.s32 $0x0;
	[tilespmem:s22+$0x5080] =	vst v1  }
0x8e: {  	[hbm4b:s9+s25] =	stream.linear.scatter [tilespmem:s20], [sflag:$0x1], $0x1000, $0x38;
	[tilespmem:$0x6080] =	vst v63  }
0x8f: {  	_ =	swait.ge [sflag:s17], $0x1000  }
0x90: {  	[sflag:s17] =	ssyncset.done $0x0  }
0x91: {  	[sflag:s17] =	ssyncadd.s32 $0xFFFFF000  }
0x92: {  	[tilespmem:s18], [sflag:$0x1] =	stream.linear.gather [hbm4b:s10+s25], $0x4000, $0x38;
	[tilespmem:$0x6080] =	vst v63  }
0x93: {  	_ =	swait.ge [sflag:s17], $0x4000  }
0x94: {  	[sflag:s17] =	ssyncset.done $0x0  }
0x95: {  	[sflag:s17] =	ssyncadd.s32 $0xFFFFC000  }
0x96: {  	[tilespmem:s19], [sflag:$0x1] =	stream.linear.gather [hbm4b:s11+s25], $0x1000, $0x38;
	[tilespmem:$0x6080] =	vst v63  }
0x97: {  	s28 =	simm.s32 $0x0;
	_ =	swait.ge [sflag:s17], $0x1000  }
0x98: {  	s26 =	sand.u32 $0xFFFFFF80, s28;
	s0 =	sand.u32 $0x70, s25;
	[sflag:s17] =	ssyncset.done $0x0  }
0x99: {  	s23 =	sor.u32 s0, s26;
	[sflag:s17] =	ssyncadd.s32 $0xFFFFF000  }
0x9a: {  	v1 =	vld [tilespmem:s23+$0x4080];
	_ =	sdelay $0x3  }
0x9b: {  	s29 =	simm.s32 $0x0  }
0x9c: {  	s29 =	sand.u32 $0x3000, s29;
	s28 =	sand.u32 $0x380, s28;
	v2 =	vshrl.u32 v1, $0x10;
	v3 =	vshrl.u32 v1, $0x18  }
0x9d: {  	s28 =	sor.u32 s28, s29;
	s26 =	simm.s32 $0x10;
	s25 =	simm.s32 $0x10;
	v4 =	vand.u32 $0xFF, v2  }
0x9e: {  	s30 =	sor.u32 s0, s28;
	s24 =	sand.u32 $0x70, s26;
	s31 =	sand.u32 $0xFFFFFF80, s25;
	v5 =	vand.u32 $0xFF, v1  }
0x9f: {  	s22 =	sor.u32 s24, s31;
	v8 =	vld [tilespmem:s30+$0x480];
	v2 =	vshrl.u32 v1, $0x8  }
0xa0: {  	v1 =	vld [tilespmem:s22+$0x4080];
	v6 =	vand.u32 $0xFF, v2  }
0xa1: {  	v2 =	vld.idx.msk [tilespmem:v3+s1+$0x0], $0xffff  }
0xa2: {  	v3 =	vld.idx.msk [tilespmem:v4+s1+$0x0], $0xffff  }
0xa3: {  	v4 =	vld.idx.msk [tilespmem:v5+s1+$0x0], $0xffff  }
0xa4: {  	v5 =	vld [tilespmem:s30+$0x80]  }
0xa5: {  	v6 =	vld.idx.msk [tilespmem:v6+s1+$0x0], $0xffff  }
0xa6: {  	s29 =	simm.s32 $0x2;
	s28 =	simm.s32 $0x1;
	v7 =	vld [tilespmem:s30+$0x880]  }
.LBB2_6:
0xa7: {  	p0 =	sne.s32 s29, $0xFF;
	v9 =	vld [tilespmem:s30+$0xC80];
	_ =	sdelay $0x1  }
0xa8: {  	v10 =	vshrl.u32 v1, $0x10;
	v11 =	vshrl.u32 v1, $0x18  }
0xa9: {  	v10 =	vand.u32 $0xFF, v10;
	vm0 =	vgt.f32 v5, v4;
	vm1 =	vgt.f32 v8, v6  }
0xaa: {  	v4 =	vsel vm0, $0x1, v0;
	v5 =	vsel vm1, $0x100, v0;
	vm0 =	vgt.f32 v7, v3  }
0xab: {  	s0 =	sshll.u32 s29, $0x4;
	s26 =	sadd.s32 $0x10, s26;
	v3 =	vor.u32 v4, v5;
	v4 =	vsel vm0, $0x10000, v0;
	vm0 =	vgt.f32 v9, v2  }
0xac: {  	s31 =	sand.u32 $0x70, s26;
	s30 =	sand.u32 $0xFFFFFF80, s0;
	v5 =	vand.u32 $0xFF, v1;
	v2 =	vor.u32 v4, v3;
	v3 =	vsel vm0, $0x1000000, v0  }
0xad: {  	s30 =	sor.u32 s31, s30;
	v4 =	vshrl.u32 v1, $0x8;
	v2 =	vor.u32 v3, v2  }
0xae: {  	s28 =	sshll.u32 s28, $0x6;
	v6 =	vand.u32 $0xFF, v4;
	v1 =	vld [tilespmem:s30+$0x4080];
	[tilespmem:s23+$0x5080] =	vst v2;
	s23 =	smov.u32 s22;
	s22 =	smov.u32 s30  }
0xaf: {  	s28 =	sand.u32 $0x3000, s28;
	s30 =	sand.u32 $0x380, s25;
	s25 =	smov.u32 s0;
	v2 =	vld.idx.msk [tilespmem:v11+s1+$0x0], $0xffff  }
0xb0: {  	s0 =	sor.u32 s30, s28;
	s28 =	smov.u32 s29;
	v3 =	vld.idx.msk [tilespmem:v10+s1+$0x0], $0xffff  }
.Ltmp2:
0xb1: {  	s30 =	sor.u32 s24, s0;
	s24 =	smov.u32 s31;
	v4 =	vld.idx.msk [tilespmem:v5+s1+$0x0], $0xffff;
	(pc) =	sbr.rel @p0 .LBB2_6-.Ltmp2, $4  }
0xb2: {  	v5 =	vld [tilespmem:s30+$0x80]  }
0xb3: {  	v6 =	vld.idx.msk [tilespmem:v6+s1+$0x0], $0xffff  }
0xb4: {  	v8 =	vld [tilespmem:s30+$0x480]  }
0xb5: {  	s29 =	sadd.s32 $0x1, s29;
	v7 =	vld [tilespmem:s30+$0x880]  }
0xb6: {  	v9 =	vld [tilespmem:s30+$0xC80];
	_ =	sdelay $0x1  }
0xb7: {  	v10 =	vshrl.u32 v1, $0x10;
	v11 =	vshrl.u32 v1, $0x18  }
0xb8: {  	v10 =	vand.u32 $0xFF, v10;
	vm0 =	vgt.f32 v5, v4;
	vm1 =	vgt.f32 v8, v6  }
0xb9: {  	v4 =	vsel vm0, $0x1, v0;
	v5 =	vsel vm1, $0x100, v0;
	vm10 =	vgt.f32 v7, v3  }
0xba: {  	v3 =	vor.u32 v4, v5;
	v4 =	vsel vm10, $0x10000, v0;
	vm11 =	vgt.f32 v9, v2  }
0xbb: {  	v3 =	vor.u32 v4, v3;
	v4 =	vsel vm11, $0x1000000, v0  }
0xbc: {  	s0 =	sshll.u32 s28, $0x6;
	v3 =	vor.u32 v4, v3  }
0xbd: {  	s31 =	sand.u32 $0x380, s25;
	s0 =	sand.u32 $0x3000, s0;
	v2 =	vand.u32 $0xFF, v1;
	v1 =	vshrl.u32 v1, $0x8;
	[tilespmem:s23+$0x5080] =	vst v3  }
0xbe: {  	s0 =	sor.u32 s31, s0;
	v1 =	vand.u32 $0xFF, v1;
	v3 =	vld.idx.msk [tilespmem:v11+s1+$0x0], $0xffff  }
0xbf: {  	s0 =	sor.u32 s24, s0;
	v4 =	vld.idx.msk [tilespmem:v10+s1+$0x0], $0xffff  }
0xc0: {  	v5 =	vld [tilespmem:s0+$0x80]  }
0xc1: {  	v6 =	vld [tilespmem:s0+$0x480]  }
0xc2: {  	v2 =	vld.idx.msk [tilespmem:v2+s1+$0x0], $0xffff  }
0xc3: {  	v1 =	vld.idx.msk [tilespmem:v1+s1+$0x0], $0xffff  }
0xc4: {  	v7 =	vld [tilespmem:s0+$0x880]  }
0xc5: {  	v8 =	vld [tilespmem:s0+$0xC80];
	_ =	sdelay $0x2  }
0xc6: {  	vm12 =	vgt.f32 v5, v2;
	vm13 =	vgt.f32 v6, v1  }
0xc7: {  	vm14 =	vgt.f32 v7, v4;
	v1 =	vsel vm12, $0x1, v0;
	v2 =	vsel vm13, $0x100, v0  }
0xc8: {  	vm15 =	vgt.f32 v8, v3;
	v1 =	vor.u32 v1, v2;
	v2 =	vsel vm14, $0x10000, v0  }
0xc9: {  	v1 =	vor.u32 v2, v1;
	v2 =	vsel vm15, $0x1000000, v0  }
0xca: {  	v1 =	vor.u32 v2, v1  }
0xcb: {  	s25 =	simm.s32 $0x0;
	[tilespmem:s22+$0x5080] =	vst v1  }
0xcc: {  	[hbm4b:s12+s25] =	stream.linear.scatter [tilespmem:s20], [sflag:$0x1], $0x1000, $0x38;
	[tilespmem:$0x6080] =	vst v63  }
0xcd: {  	_ =	swait.ge [sflag:s17], $0x1000  }
0xce: {  	[sflag:s17] =	ssyncset.done $0x0  }
0xcf: {  	[sflag:s17] =	ssyncadd.s32 $0xFFFFF000  }
0xd0: {  	[tilespmem:s18], [sflag:$0x1] =	stream.linear.gather [hbm4b:s13+s25], $0x4000, $0x38;
	[tilespmem:$0x6080] =	vst v63  }
0xd1: {  	_ =	swait.ge [sflag:s17], $0x4000  }
0xd2: {  	[sflag:s17] =	ssyncset.done $0x0  }
0xd3: {  	[sflag:s17] =	ssyncadd.s32 $0xFFFFC000  }
0xd4: {  	[tilespmem:s19], [sflag:$0x1] =	stream.linear.gather [hbm4b:s14+s25], $0x1000, $0x38;
	[tilespmem:$0x6080] =	vst v63  }
0xd5: {  	s28 =	simm.s32 $0x0;
	_ =	swait.ge [sflag:s17], $0x1000  }
0xd6: {  	s26 =	sand.u32 $0xFFFFFF80, s28;
	s0 =	sand.u32 $0x70, s25;
	[sflag:s17] =	ssyncset.done $0x0  }
0xd7: {  	s23 =	sor.u32 s0, s26;
	[sflag:s17] =	ssyncadd.s32 $0xFFFFF000  }
0xd8: {  	v1 =	vld [tilespmem:s23+$0x4080];
	_ =	sdelay $0x3  }
0xd9: {  	s29 =	simm.s32 $0x0  }
0xda: {  	s29 =	sand.u32 $0x3000, s29;
	s28 =	sand.u32 $0x380, s28;
	v2 =	vshrl.u32 v1, $0x10;
	v3 =	vshrl.u32 v1, $0x18  }
0xdb: {  	s28 =	sor.u32 s28, s29;
	s26 =	simm.s32 $0x10;
	s25 =	simm.s32 $0x10;
	v4 =	vand.u32 $0xFF, v2  }
0xdc: {  	s30 =	sor.u32 s0, s28;
	s24 =	sand.u32 $0x70, s26;
	s31 =	sand.u32 $0xFFFFFF80, s25;
	v5 =	vand.u32 $0xFF, v1  }
0xdd: {  	s22 =	sor.u32 s24, s31;
	v8 =	vld [tilespmem:s30+$0x480];
	v2 =	vshrl.u32 v1, $0x8  }
0xde: {  	v1 =	vld [tilespmem:s22+$0x4080];
	v6 =	vand.u32 $0xFF, v2  }
0xdf: {  	v2 =	vld.idx.msk [tilespmem:v3+s1+$0x0], $0xffff  }
0xe0: {  	v3 =	vld.idx.msk [tilespmem:v4+s1+$0x0], $0xffff  }
0xe1: {  	v4 =	vld.idx.msk [tilespmem:v5+s1+$0x0], $0xffff  }
0xe2: {  	v5 =	vld [tilespmem:s30+$0x80]  }
0xe3: {  	v6 =	vld.idx.msk [tilespmem:v6+s1+$0x0], $0xffff  }
0xe4: {  	s29 =	simm.s32 $0x2;
	s28 =	simm.s32 $0x1;
	v7 =	vld [tilespmem:s30+$0x880]  }
.LBB2_8:
0xe5: {  	p0 =	sne.s32 s29, $0xFF;
	v9 =	vld [tilespmem:s30+$0xC80];
	_ =	sdelay $0x1  }
0xe6: {  	v10 =	vshrl.u32 v1, $0x10;
	v11 =	vshrl.u32 v1, $0x18  }
0xe7: {  	v10 =	vand.u32 $0xFF, v10;
	vm0 =	vgt.f32 v5, v4;
	vm1 =	vgt.f32 v8, v6  }
0xe8: {  	v4 =	vsel vm0, $0x1, v0;
	v5 =	vsel vm1, $0x100, v0;
	vm0 =	vgt.f32 v7, v3  }
0xe9: {  	s0 =	sshll.u32 s29, $0x4;
	s26 =	sadd.s32 $0x10, s26;
	v3 =	vor.u32 v4, v5;
	v4 =	vsel vm0, $0x10000, v0;
	vm0 =	vgt.f32 v9, v2  }
0xea: {  	s31 =	sand.u32 $0x70, s26;
	s30 =	sand.u32 $0xFFFFFF80, s0;
	v5 =	vand.u32 $0xFF, v1;
	v2 =	vor.u32 v4, v3;
	v3 =	vsel vm0, $0x1000000, v0  }
0xeb: {  	s30 =	sor.u32 s31, s30;
	v4 =	vshrl.u32 v1, $0x8;
	v2 =	vor.u32 v3, v2  }
0xec: {  	s28 =	sshll.u32 s28, $0x6;
	v6 =	vand.u32 $0xFF, v4;
	v1 =	vld [tilespmem:s30+$0x4080];
	[tilespmem:s23+$0x5080] =	vst v2;
	s23 =	smov.u32 s22;
	s22 =	smov.u32 s30  }
0xed: {  	s28 =	sand.u32 $0x3000, s28;
	s30 =	sand.u32 $0x380, s25;
	s25 =	smov.u32 s0;
	v2 =	vld.idx.msk [tilespmem:v11+s1+$0x0], $0xffff  }
0xee: {  	s0 =	sor.u32 s30, s28;
	s28 =	smov.u32 s29;
	v3 =	vld.idx.msk [tilespmem:v10+s1+$0x0], $0xffff  }
.Ltmp3:
0xef: {  	s30 =	sor.u32 s24, s0;
	s24 =	smov.u32 s31;
	v4 =	vld.idx.msk [tilespmem:v5+s1+$0x0], $0xffff;
	(pc) =	sbr.rel @p0 .LBB2_8-.Ltmp3, $4  }
0xf0: {  	v5 =	vld [tilespmem:s30+$0x80]  }
0xf1: {  	v6 =	vld.idx.msk [tilespmem:v6+s1+$0x0], $0xffff  }
0xf2: {  	v8 =	vld [tilespmem:s30+$0x480]  }
0xf3: {  	s29 =	sadd.s32 $0x1, s29;
	v7 =	vld [tilespmem:s30+$0x880]  }
0xf4: {  	v9 =	vld [tilespmem:s30+$0xC80];
	_ =	sdelay $0x1  }
0xf5: {  	v10 =	vshrl.u32 v1, $0x10;
	v11 =	vshrl.u32 v1, $0x18  }
0xf6: {  	v10 =	vand.u32 $0xFF, v10;
	vm0 =	vgt.f32 v5, v4;
	vm1 =	vgt.f32 v8, v6  }
0xf7: {  	v4 =	vsel vm0, $0x1, v0;
	v56 =	vsel vm1, $0x100, v0;
	vm10 =	vgt.f32 v7, v3  }
0xf8: {  	v3 =	vor.u32 v4, v56;
	v57 =	vsel vm10, $0x10000, v0;
	vm11 =	vgt.f32 v9, v2  }
0xf9: {  	v3 =	vor.u32 v57, v3;
	v58 =	vsel vm11, $0x1000000, v0  }
0xfa: {  	s0 =	sshll.u32 s28, $0x6;
	v3 =	vor.u32 v58, v3  }
0xfb: {  	s31 =	sand.u32 $0x380, s25;
	s0 =	sand.u32 $0x3000, s0;
	v2 =	vand.u32 $0xFF, v1;
	v1 =	vshrl.u32 v1, $0x8;
	[tilespmem:s23+$0x5080] =	vst v3  }
0xfc: {  	s0 =	sor.u32 s31, s0;
	v1 =	vand.u32 $0xFF, v1;
	v3 =	vld.idx.msk [tilespmem:v11+s1+$0x0], $0xffff  }
0xfd: {  	s0 =	sor.u32 s24, s0;
	v59 =	vld.idx.msk [tilespmem:v10+s1+$0x0], $0xffff  }
0xfe: {  	v60 =	vld [tilespmem:s0+$0x80]  }
0xff: {  	v61 =	vld [tilespmem:s0+$0x480]  }
0x100: {  	v2 =	vld.idx.msk [tilespmem:v2+s1+$0x0], $0xffff  }
0x101: {  	v1 =	vld.idx.msk [tilespmem:v1+s1+$0x0], $0xffff  }
0x102: {  	v62 =	vld [tilespmem:s0+$0x880]  }
0x103: {  	v63 =	vld [tilespmem:s0+$0xC80];
	_ =	sdelay $0x2  }
0x104: {  	vm12 =	vgt.f32 v60, v2;
	vm13 =	vgt.f32 v61, v1  }
0x105: {  	vm14 =	vgt.f32 v62, v59;
	v1 =	vsel vm12, $0x1, v0;
	v2 =	vsel vm13, $0x100, v0  }
0x106: {  	vm15 =	vgt.f32 v63, v3;
	v1 =	vor.u32 v1, v2;
	v2 =	vsel vm14, $0x10000, v0  }
0x107: {  	s21 =	sadd.s32 $0x1, s21;
	v1 =	vor.u32 v2, v1;
	v2 =	vsel vm15, $0x1000000, v0  }
0x108: {  	p0 =	sne.s32 s21, s16;
	v1 =	vor.u32 v2, v1  }
.Ltmp4:
0x109: {  	[tilespmem:s22+$0x5080] =	vst v1;
	(pc) =	sbr.rel @p0 .LBB2_1-.Ltmp4, $4  }
0x10a: {  	[hbm4b:s15+s1] =	stream.linear.scatter [tilespmem:s20], [sflag:$0x1], $0x1000, $0x38;
	[tilespmem:$0x6080] =	vst v63  }
0x10b: {  	_ =	swait.ge [sflag:s17], $0x1000  }
0x10c: {  	[sflag:s17] =	ssyncset.done $0x0  }
0x10d: {  	[sflag:s17] =	ssyncadd.s32 $0xFFFFF000  }
0x10e: {  	_ =	sfence.sel $0x180000  }
0x10f: {  	[bflag:$0x0] =	sbarrier.arrive $0xFFFF  }
0x110: {  	_ =	strace $0x90000047  }
0x111: {  	[bflag:$0x2] =	sbarrier.arrive $0xFFFF  }
0x112: {  	p0 =	sne.s32 s2, $0x0;
	s0 =	rddreg [dreg:$0x2]  }
0x113: {  	s0 =	sadd.s32 @!p0 $0x100000, s0  }
0x114: {  	[sflag:s0] =	ssyncadd.tile.s32 @!p0 $0x1;
	_ =	shalt  }
.Lfunc_end2:
_tile_overlayer_lowered:
.L_overlay_start_2:
0x115: {  	(tag) =	ssettag $0x2  }
0x116: {  	s0 =	rddreg [dreg:$0x0];
	s2 =	stileid.u32  }
0x117: {  	s1 =	rddreg [dreg:$0x1];
	p0 =	sne.s32 s2, $0x0  }
0x118: {  	s3 =	rddreg [dreg:$0x2];
	[bflag:$0x3] =	sbarrier.arrive $0xFFFF;
	s2 =	simm.s32 @!p0 $0x1C01  }
0x119: {  	[timem:s3], [sflag:s2] =	dma.local @!p0 [hbm:s0], s1  }
0x11a: {  	s0 =	simm.s32 @!p0 $0x1  }
0x11b: {  	_ =	swait.ge @!p0 [sflag:s0], s1  }
0x11c: {  	s1 =	ssub.s32 @!p0 $0x0, s1;
	[sflag:s0] =	ssyncset.done @!p0 $0x0  }
0x11d: {  	[sflag:s0] =	ssyncadd.s32 @!p0 s1  }
0x11e: {  	[bflag:$0x3] =	sbarrier.arrive $0xFFFF  }
0x11f: {  	_ =	shalt  }

</sc_bundles>
